<compile_context>
chip_gen: v7x
topology: tpu7x:2x2x1
jax: 0.10.2.dev20260603
libtpu: 0.0.44.dev20260713+nightly
codegen_flags: <defaults>
</compile_context>

<pallas_src>
import jax
import jax.numpy as jnp
from jax import lax
from jax.experimental import pallas as pl
from jax.experimental.pallas import tpu as pltpu
from jax.experimental.pallas import tpu_sc as plsc

NUM_FACTORS = 32
NPACK = NUM_FACTORS // 2
MU = 3.5
BATCH = 16384
NC = 2
NS = 16
L = 16
NW = NC * NS
BPW = BATCH // NW
CHUNK = 128
NCHUNK = BPW // CHUNK


def _sc_body(uidx_hbm, iidx_hbm, uw_hbm, iw_hbm, ub_hbm, ib_hbm,
             urows_hbm, irows_hbm, bsum_hbm,
             uidx_v, iidx_v, urows_v, irows_v, ub_v, ib_v, sem):
    c = lax.axis_index("c")
    s = lax.axis_index("s")
    wid = s * NC + c

    pltpu.sync_copy(uidx_hbm.at[wid], uidx_v)
    pltpu.sync_copy(iidx_hbm.at[wid], iidx_v)

    copies = []
    for j in range(NCHUNK):
        dst = pl.ds(j * CHUNK, CHUNK)
        copies.append(pltpu.async_copy(uw_hbm.at[uidx_v.at[j]], urows_v.at[dst], sem))
        copies.append(pltpu.async_copy(iw_hbm.at[iidx_v.at[j]], irows_v.at[dst], sem))
        copies.append(pltpu.async_copy(ub_hbm.at[uidx_v.at[j]], ub_v.at[dst], sem))
        copies.append(pltpu.async_copy(ib_hbm.at[iidx_v.at[j]], ib_v.at[dst], sem))
    for cp in copies:
        cp.wait()

    def addb(g, carry):
        sl = pl.ds(g * L, L)
        ub_v[sl] = ub_v[sl] + ib_v[sl]
        return carry

    lax.fori_loop(0, BPW // L, addb, 0)

    base = pl.ds(wid * BPW, BPW)
    pltpu.sync_copy(urows_v, urows_hbm.at[base])
    pltpu.sync_copy(irows_v, irows_hbm.at[base])
    pltpu.sync_copy(ub_v, bsum_hbm.at[base])


@jax.jit
def _run(uidx3, iidx3, uw, iw, ubf, ibf):
    mesh = plsc.VectorSubcoreMesh(core_axis_name="c", subcore_axis_name="s")
    f = pl.kernel(
        _sc_body,
        mesh=mesh,
        compiler_params=pltpu.CompilerParams(use_tc_tiling_on_sc=False),
        out_type=(jax.ShapeDtypeStruct((BATCH, NPACK), jnp.int32),
                  jax.ShapeDtypeStruct((BATCH, NPACK), jnp.int32),
                  jax.ShapeDtypeStruct((BATCH,), jnp.float32)),
        scratch_types=[
            pltpu.VMEM((NCHUNK, CHUNK), jnp.int32),
            pltpu.VMEM((NCHUNK, CHUNK), jnp.int32),
            pltpu.VMEM((BPW, NPACK), jnp.int32),
            pltpu.VMEM((BPW, NPACK), jnp.int32),
            pltpu.VMEM((BPW,), jnp.float32),
            pltpu.VMEM((BPW,), jnp.float32),
            pltpu.SemaphoreType.DMA,
        ],
    )
    return f(uidx3, iidx3, uw, iw, ubf, ibf)


def _tc_dot_body(uw_ref, iw_ref, bs_ref, out_ref):
    uw = uw_ref[...]
    iw = iw_ref[...]
    himask = jnp.int32(-65536)
    ua = lax.bitcast_convert_type(lax.shift_left(uw, 16), jnp.float32)
    ub2 = lax.bitcast_convert_type(uw & himask, jnp.float32)
    ia = lax.bitcast_convert_type(lax.shift_left(iw, 16), jnp.float32)
    ib2 = lax.bitcast_convert_type(iw & himask, jnp.float32)
    dots = jnp.sum(ua * ia + ub2 * ib2, axis=1)
    out_ref[...] = dots + bs_ref[...] + MU


def _tc_dot(urows, irows, bsum):
    blk = 2048
    return pl.pallas_call(
        _tc_dot_body,
        grid=(BATCH // blk,),
        in_specs=[
            pl.BlockSpec((blk, NPACK), lambda i: (i, 0)),
            pl.BlockSpec((blk, NPACK), lambda i: (i, 0)),
            pl.BlockSpec((blk,), lambda i: (i,)),
        ],
        out_specs=pl.BlockSpec((blk,), lambda i: (i,)),
        out_shape=jax.ShapeDtypeStruct((BATCH,), jnp.float32),
    )(urows, irows, bsum)


def kernel(user_idx, item_idx, embed_user_w, embed_item_w, user_bias_w, item_bias_w):
    uidx3 = user_idx.reshape(NW, NCHUNK, CHUNK)
    iidx3 = item_idx.reshape(NW, NCHUNK, CHUNK)
    ubf = user_bias_w.reshape(-1)
    ibf = item_bias_w.reshape(-1)
    uwp = jax.lax.bitcast_convert_type(
        embed_user_w.astype(jnp.bfloat16).reshape(-1, NPACK, 2), jnp.int32)
    iwp = jax.lax.bitcast_convert_type(
        embed_item_w.astype(jnp.bfloat16).reshape(-1, NPACK, 2), jnp.int32)
    urows, irows, bsum = _run(uidx3, iidx3, uwp, iwp, ubf, ibf)
    return _tc_dot(urows, irows, bsum)

# --- scband reference (transcript-rebuilt; emitter-appended) ---
"""Pipeline reference for scband-svdwith-bias-14972255994513 (READ-ONLY COPY).

The authoritative reference and input builder live on the scoring server;
editing this copy changes nothing except your own understanding.
"""

import jax, jax.numpy as jnp
import numpy as np

NUM_USERS = 1000000
NUM_ITEMS = 1000000
NUM_FACTORS = 32
BATCH = 16384
MU = 3.5


def setup_inputs(seed: int = 0) -> dict:
    key = jax.random.key(seed)
    k1, k2, k3, k4, k5, k6 = jax.random.split(key, 6)
    user_idx = jax.random.randint(k1, (BATCH,), 0, NUM_USERS, dtype=jnp.int64) if jax.config.read('jax_enable_x64') else jax.random.randint(k1, (BATCH,), 0, NUM_USERS, dtype=jnp.int32)
    item_idx = jax.random.randint(k2, (BATCH,), 0, NUM_ITEMS, dtype=jnp.int32)
    user_idx = jax.random.randint(k1, (BATCH,), 0, NUM_USERS, dtype=jnp.int32)
    # xavier-normal-ish init scale
    embed_user_w = jax.random.normal(k3, (NUM_USERS, NUM_FACTORS), dtype=jnp.float32) * (2.0 / (NUM_USERS + NUM_FACTORS)) ** 0.5
    embed_item_w = jax.random.normal(k4, (NUM_ITEMS, NUM_FACTORS), dtype=jnp.float32) * (2.0 / (NUM_ITEMS + NUM_FACTORS)) ** 0.5
    user_bias_w = jax.random.normal(k5, (NUM_USERS, 1), dtype=jnp.float32) * (2.0 / (NUM_USERS + 1)) ** 0.5
    item_bias_w = jax.random.normal(k6, (NUM_ITEMS, 1), dtype=jnp.float32) * (2.0 / (NUM_ITEMS + 1)) ** 0.5
    return {
        'user_idx': user_idx,
        'item_idx': item_idx,
        'embed_user_w': embed_user_w,
        'embed_item_w': embed_item_w,
        'user_bias_w': user_bias_w,
        'item_bias_w': item_bias_w,
    }


def reference(user_idx, item_idx, embed_user_w, embed_item_w, user_bias_w, item_bias_w):
    embed_user = jnp.take(embed_user_w, user_idx, axis=0)   # [B, F]
    embed_item = jnp.take(embed_item_w, item_idx, axis=0)   # [B, F]
    user_bias = jnp.take(user_bias_w, user_idx, axis=0)     # [B, 1]
    item_bias = jnp.take(item_bias_w, item_idx, axis=0)     # [B, 1]
    output = (embed_user * embed_item).sum(axis=1) + jnp.squeeze(user_bias) + jnp.squeeze(item_bias) + MU
    return output

if __name__ == "__main__":
    import jax
    _d = setup_inputs()
    print(jax.jit(kernel)(*tuple(_d.values())))

</pallas_src>

<mosaic_0001>
#map = affine_map<(d0, d1) -> (0, 0, 0)>
#map1 = affine_map<(d0, d1) -> (0, 0)>
#map2 = affine_map<(d0, d1) -> (0)>
module attributes {stable_mosaic.version = 14 : i64} {
  func.func @_sc_body(%arg0: i32, %arg1: i32, %arg2: memref<32x4x128xi32, #tpu.memory_space<hbm>>, %arg3: memref<32x4x128xi32, #tpu.memory_space<hbm>>, %arg4: memref<1000000x16xi32, #tpu.memory_space<hbm>>, %arg5: memref<1000000x16xi32, #tpu.memory_space<hbm>>, %arg6: memref<1000000xf32, #tpu.memory_space<hbm>>, %arg7: memref<1000000xf32, #tpu.memory_space<hbm>>, %arg8: memref<16384x16xi32, #tpu.memory_space<hbm>>, %arg9: memref<16384x16xi32, #tpu.memory_space<hbm>>, %arg10: memref<16384xf32, #tpu.memory_space<hbm>>, %arg11: memref<4x128xi32, #tpu.memory_space<vmem>>, %arg12: memref<4x128xi32, #tpu.memory_space<vmem>>, %arg13: memref<512x16xi32, #tpu.memory_space<vmem>>, %arg14: memref<512x16xi32, #tpu.memory_space<vmem>>, %arg15: memref<512xf32, #tpu.memory_space<vmem>>, %arg16: memref<512xf32, #tpu.memory_space<vmem>>, %arg17: memref<!tpu.dma_semaphore, #tpu.memory_space<semaphore_mem>>) attributes {dimension_semantics = [#tpu.dimension_semantics<core_parallel>, #tpu.dimension_semantics<subcore_parallel>], iteration_bounds = array<i64: 2, 16>, scalar_prefetch = 0 : i64, scratch_operands = 7 : i64, tpu.core_type = #tpu.core_type<sc_vector_subcore>, window_params = [{transform_indices = #map}, {transform_indices = #map}, {transform_indices = #map1}, {transform_indices = #map1}, {transform_indices = #map2}, {transform_indices = #map2}, {transform_indices = #map1}, {transform_indices = #map1}, {transform_indices = #map2}]} {
    %mul3A = arith.constant 2 : i32
    %mul3A_0 = arith.muli %arg1, %mul3A : i32
    %add3A = arith.addi %mul3A_0, %arg0 : i32
    "tpu.region"() ({
      %run_scoped3A = tpu.sem_alloc : memref<!tpu.dma_semaphore, #tpu.memory_space<semaphore_mem>>
      %dma_start3A_294 = arith.constant 0 : i32
      %dma_start3A_295 = arith.constant 0 : i32
      %dma_start3A_296 = tpu.memref_slice %arg2[%add3A, %dma_start3A_294, %dma_start3A_295] : memref<32x4x128xi32, #tpu.memory_space<hbm>> -> memref<1x4x128xi32, #tpu.memory_space<hbm>>
      %dma_start3A_297 = tpu.memref_squeeze %dma_start3A_296 : memref<1x4x128xi32, #tpu.memory_space<hbm>> -> memref<4x128xi32, #tpu.memory_space<hbm>>
      %dma_start3A_298 = arith.constant 0 : i32
      %dma_start3A_299 = arith.constant 0 : i32
      %dma_start3A_300 = tpu.memref_slice %arg2[%add3A, %dma_start3A_298, %dma_start3A_299] : memref<32x4x128xi32, #tpu.memory_space<hbm>> -> memref<1x4x128xi32, #tpu.memory_space<hbm>>
      %dma_start3A_301 = tpu.memref_squeeze %dma_start3A_300 : memref<1x4x128xi32, #tpu.memory_space<hbm>> -> memref<4x128xi32, #tpu.memory_space<hbm>>
      tpu.enqueue_dma source(%dma_start3A_301 : memref<4x128xi32, #tpu.memory_space<hbm>>) target(%arg11 : memref<4x128xi32, #tpu.memory_space<vmem>>) target_semaphore(%run_scoped3A : memref<!tpu.dma_semaphore, #tpu.memory_space<semaphore_mem>>)
      %dma_wait3A_302 = arith.constant 0 : i32
      %dma_wait3A_303 = arith.constant 0 : i32
      %dma_wait3A_304 = tpu.memref_slice %arg2[%add3A, %dma_wait3A_302, %dma_wait3A_303] : memref<32x4x128xi32, #tpu.memory_space<hbm>> -> memref<1x4x128xi32, #tpu.memory_space<hbm>>
      %dma_wait3A_305 = tpu.memref_squeeze %dma_wait3A_304 : memref<1x4x128xi32, #tpu.memory_space<hbm>> -> memref<4x128xi32, #tpu.memory_space<hbm>>
      %dma_wait3A_306 = arith.constant 0 : i32
      %dma_wait3A_307 = arith.constant 0 : i32
      %dma_wait3A_308 = tpu.memref_slice %arg2[%add3A, %dma_wait3A_306, %dma_wait3A_307] : memref<32x4x128xi32, #tpu.memory_space<hbm>> -> memref<1x4x128xi32, #tpu.memory_space<hbm>>
      %dma_wait3A_309 = tpu.memref_squeeze %dma_wait3A_308 : memref<1x4x128xi32, #tpu.memory_space<hbm>> -> memref<4x128xi32, #tpu.memory_space<hbm>>
      tpu.wait_dma2 semaphore(%run_scoped3A : memref<!tpu.dma_semaphore, #tpu.memory_space<semaphore_mem>>) src(%dma_wait3A_309 : memref<4x128xi32, #tpu.memory_space<hbm>>) dst(%arg11 : memref<4x128xi32, #tpu.memory_space<vmem>>)
      tpu.yield
    }) : () -> ()
    "tpu.region"() ({
      %run_scoped3A = tpu.sem_alloc : memref<!tpu.dma_semaphore, #tpu.memory_space<semaphore_mem>>
      %dma_start3A_294 = arith.constant 0 : i32
      %dma_start3A_295 = arith.constant 0 : i32
      %dma_start3A_296 = tpu.memref_slice %arg3[%add3A, %dma_start3A_294, %dma_start3A_295] : memref<32x4x128xi32, #tpu.memory_space<hbm>> -> memref<1x4x128xi32, #tpu.memory_space<hbm>>
      %dma_start3A_297 = tpu.memref_squeeze %dma_start3A_296 : memref<1x4x128xi32, #tpu.memory_space<hbm>> -> memref<4x128xi32, #tpu.memory_space<hbm>>
      %dma_start3A_298 = arith.constant 0 : i32
      %dma_start3A_299 = arith.constant 0 : i32
      %dma_start3A_300 = tpu.memref_slice %arg3[%add3A, %dma_start3A_298, %dma_start3A_299] : memref<32x4x128xi32, #tpu.memory_space<hbm>> -> memref<1x4x128xi32, #tpu.memory_space<hbm>>
      %dma_start3A_301 = tpu.memref_squeeze %dma_start3A_300 : memref<1x4x128xi32, #tpu.memory_space<hbm>> -> memref<4x128xi32, #tpu.memory_space<hbm>>
      tpu.enqueue_dma source(%dma_start3A_301 : memref<4x128xi32, #tpu.memory_space<hbm>>) target(%arg12 : memref<4x128xi32, #tpu.memory_space<vmem>>) target_semaphore(%run_scoped3A : memref<!tpu.dma_semaphore, #tpu.memory_space<semaphore_mem>>)
      %dma_wait3A_302 = arith.constant 0 : i32
      %dma_wait3A_303 = arith.constant 0 : i32
      %dma_wait3A_304 = tpu.memref_slice %arg3[%add3A, %dma_wait3A_302, %dma_wait3A_303] : memref<32x4x128xi32, #tpu.memory_space<hbm>> -> memref<1x4x128xi32, #tpu.memory_space<hbm>>
      %dma_wait3A_305 = tpu.memref_squeeze %dma_wait3A_304 : memref<1x4x128xi32, #tpu.memory_space<hbm>> -> memref<4x128xi32, #tpu.memory_space<hbm>>
      %dma_wait3A_306 = arith.constant 0 : i32
      %dma_wait3A_307 = arith.constant 0 : i32
      %dma_wait3A_308 = tpu.memref_slice %arg3[%add3A, %dma_wait3A_306, %dma_wait3A_307] : memref<32x4x128xi32, #tpu.memory_space<hbm>> -> memref<1x4x128xi32, #tpu.memory_space<hbm>>
      %dma_wait3A_309 = tpu.memref_squeeze %dma_wait3A_308 : memref<1x4x128xi32, #tpu.memory_space<hbm>> -> memref<4x128xi32, #tpu.memory_space<hbm>>
      tpu.wait_dma2 semaphore(%run_scoped3A : memref<!tpu.dma_semaphore, #tpu.memory_space<semaphore_mem>>) src(%dma_wait3A_309 : memref<4x128xi32, #tpu.memory_space<hbm>>) dst(%arg12 : memref<4x128xi32, #tpu.memory_space<vmem>>)
      tpu.yield
    }) : () -> ()
    %dma_start3A = arith.constant 0 : i32
    %dma_start3A_1 = arith.constant 0 : i32
    %dma_start3A_2 = arith.constant 0 : i32
    %dma_start3A_3 = tpu.memref_slice %arg13[%dma_start3A_1, %dma_start3A_2] : memref<512x16xi32, #tpu.memory_space<vmem>> -> memref<128x16xi32, #tpu.memory_space<vmem>>
    %dma_start3A_4 = arith.constant 0 : i32
    %dma_start3A_5 = tpu.memref_slice %arg11[%dma_start3A, %dma_start3A_4] : memref<4x128xi32, #tpu.memory_space<vmem>> -> memref<1x128xi32, #tpu.memory_space<vmem>>
    %dma_start3A_6 = tpu.memref_squeeze %dma_start3A_5 : memref<1x128xi32, #tpu.memory_space<vmem>> -> memref<128xi32, #tpu.memory_space<vmem>>
    %dma_start3A_7 = arith.constant 0 : i32
    %dma_start3A_8 = arith.constant 0 : i32
    %dma_start3A_9 = tpu.memref_slice %arg4[%dma_start3A_7, %dma_start3A_8] : memref<1000000x16xi32, #tpu.memory_space<hbm>> -> memref<1000000x16xi32, #tpu.memory_space<hbm>>
    tpu.enqueue_indirect_dma source(%dma_start3A_9 : memref<1000000x16xi32, #tpu.memory_space<hbm>>) target(%dma_start3A_3 : memref<128x16xi32, #tpu.memory_space<vmem>>) offsets(%dma_start3A_6 : memref<128xi32, #tpu.memory_space<vmem>>) semaphore(%arg17 : memref<!tpu.dma_semaphore, #tpu.memory_space<semaphore_mem>>)
    %dma_start3A_10 = arith.constant 0 : i32
    %dma_start3A_11 = arith.constant 0 : i32
    %dma_start3A_12 = arith.constant 0 : i32
    %dma_start3A_13 = tpu.memref_slice %arg14[%dma_start3A_11, %dma_start3A_12] : memref<512x16xi32, #tpu.memory_space<vmem>> -> memref<128x16xi32, #tpu.memory_space<vmem>>
    %dma_start3A_14 = arith.constant 0 : i32
    %dma_start3A_15 = tpu.memref_slice %arg12[%dma_start3A_10, %dma_start3A_14] : memref<4x128xi32, #tpu.memory_space<vmem>> -> memref<1x128xi32, #tpu.memory_space<vmem>>
    %dma_start3A_16 = tpu.memref_squeeze %dma_start3A_15 : memref<1x128xi32, #tpu.memory_space<vmem>> -> memref<128xi32, #tpu.memory_space<vmem>>
    %dma_start3A_17 = arith.constant 0 : i32
    %dma_start3A_18 = arith.constant 0 : i32
    %dma_start3A_19 = tpu.memref_slice %arg5[%dma_start3A_17, %dma_start3A_18] : memref<1000000x16xi32, #tpu.memory_space<hbm>> -> memref<1000000x16xi32, #tpu.memory_space<hbm>>
    tpu.enqueue_indirect_dma source(%dma_start3A_19 : memref<1000000x16xi32, #tpu.memory_space<hbm>>) target(%dma_start3A_13 : memref<128x16xi32, #tpu.memory_space<vmem>>) offsets(%dma_start3A_16 : memref<128xi32, #tpu.memory_space<vmem>>) semaphore(%arg17 : memref<!tpu.dma_semaphore, #tpu.memory_space<semaphore_mem>>)
    %dma_start3A_20 = arith.constant 0 : i32
    %dma_start3A_21 = arith.constant 0 : i32
    %dma_start3A_22 = tpu.memref_slice %arg15[%dma_start3A_21] : memref<512xf32, #tpu.memory_space<vmem>> -> memref<128xf32, #tpu.memory_space<vmem>>
    %dma_start3A_23 = arith.constant 0 : i32
    %dma_start3A_24 = tpu.memref_slice %arg11[%dma_start3A_20, %dma_start3A_23] : memref<4x128xi32, #tpu.memory_space<vmem>> -> memref<1x128xi32, #tpu.memory_space<vmem>>
    %dma_start3A_25 = tpu.memref_squeeze %dma_start3A_24 : memref<1x128xi32, #tpu.memory_space<vmem>> -> memref<128xi32, #tpu.memory_space<vmem>>
    %dma_start3A_26 = arith.constant 0 : i32
    %dma_start3A_27 = tpu.memref_slice %arg6[%dma_start3A_26] : memref<1000000xf32, #tpu.memory_space<hbm>> -> memref<1000000xf32, #tpu.memory_space<hbm>>
    tpu.enqueue_indirect_dma source(%dma_start3A_27 : memref<1000000xf32, #tpu.memory_space<hbm>>) target(%dma_start3A_22 : memref<128xf32, #tpu.memory_space<vmem>>) offsets(%dma_start3A_25 : memref<128xi32, #tpu.memory_space<vmem>>) semaphore(%arg17 : memref<!tpu.dma_semaphore, #tpu.memory_space<semaphore_mem>>)
    %dma_start3A_28 = arith.constant 0 : i32
    %dma_start3A_29 = arith.constant 0 : i32
    %dma_start3A_30 = tpu.memref_slice %arg16[%dma_start3A_29] : memref<512xf32, #tpu.memory_space<vmem>> -> memref<128xf32, #tpu.memory_space<vmem>>
    %dma_start3A_31 = arith.constant 0 : i32
    %dma_start3A_32 = tpu.memref_slice %arg12[%dma_start3A_28, %dma_start3A_31] : memref<4x128xi32, #tpu.memory_space<vmem>> -> memref<1x128xi32, #tpu.memory_space<vmem>>
    %dma_start3A_33 = tpu.memref_squeeze %dma_start3A_32 : memref<1x128xi32, #tpu.memory_space<vmem>> -> memref<128xi32, #tpu.memory_space<vmem>>
    %dma_start3A_34 = arith.constant 0 : i32
    %dma_start3A_35 = tpu.memref_slice %arg7[%dma_start3A_34] : memref<1000000xf32, #tpu.memory_space<hbm>> -> memref<1000000xf32, #tpu.memory_space<hbm>>
    tpu.enqueue_indirect_dma source(%dma_start3A_35 : memref<1000000xf32, #tpu.memory_space<hbm>>) target(%dma_start3A_30 : memref<128xf32, #tpu.memory_space<vmem>>) offsets(%dma_start3A_33 : memref<128xi32, #tpu.memory_space<vmem>>) semaphore(%arg17 : memref<!tpu.dma_semaphore, #tpu.memory_space<semaphore_mem>>)
    %dma_start3A_36 = arith.constant 1 : i32
    %dma_start3A_37 = arith.constant 128 : i32
    %dma_start3A_38 = arith.constant 0 : i32
    %dma_start3A_39 = tpu.memref_slice %arg13[%dma_start3A_37, %dma_start3A_38] : memref<512x16xi32, #tpu.memory_space<vmem>> -> memref<128x16xi32, #tpu.memory_space<vmem>>
    %dma_start3A_40 = arith.constant 0 : i32
    %dma_start3A_41 = tpu.memref_slice %arg11[%dma_start3A_36, %dma_start3A_40] : memref<4x128xi32, #tpu.memory_space<vmem>> -> memref<1x128xi32, #tpu.memory_space<vmem>>
    %dma_start3A_42 = tpu.memref_squeeze %dma_start3A_41 : memref<1x128xi32, #tpu.memory_space<vmem>> -> memref<128xi32, #tpu.memory_space<vmem>>
    %dma_start3A_43 = arith.constant 0 : i32
    %dma_start3A_44 = arith.constant 0 : i32
    %dma_start3A_45 = tpu.memref_slice %arg4[%dma_start3A_43, %dma_start3A_44] : memref<1000000x16xi32, #tpu.memory_space<hbm>> -> memref<1000000x16xi32, #tpu.memory_space<hbm>>
    tpu.enqueue_indirect_dma source(%dma_start3A_45 : memref<1000000x16xi32, #tpu.memory_space<hbm>>) target(%dma_start3A_39 : memref<128x16xi32, #tpu.memory_space<vmem>>) offsets(%dma_start3A_42 : memref<128xi32, #tpu.memory_space<vmem>>) semaphore(%arg17 : memref<!tpu.dma_semaphore, #tpu.memory_space<semaphore_mem>>)
    %dma_start3A_46 = arith.constant 1 : i32
    %dma_start3A_47 = arith.constant 128 : i32
    %dma_start3A_48 = arith.constant 0 : i32
    %dma_start3A_49 = tpu.memref_slice %arg14[%dma_start3A_47, %dma_start3A_48] : memref<512x16xi32, #tpu.memory_space<vmem>> -> memref<128x16xi32, #tpu.memory_space<vmem>>
    %dma_start3A_50 = arith.constant 0 : i32
    %dma_start3A_51 = tpu.memref_slice %arg12[%dma_start3A_46, %dma_start3A_50] : memref<4x128xi32, #tpu.memory_space<vmem>> -> memref<1x128xi32, #tpu.memory_space<vmem>>
    %dma_start3A_52 = tpu.memref_squeeze %dma_start3A_51 : memref<1x128xi32, #tpu.memory_space<vmem>> -> memref<128xi32, #tpu.memory_space<vmem>>
    %dma_start3A_53 = arith.constant 0 : i32
    %dma_start3A_54 = arith.constant 0 : i32
    %dma_start3A_55 = tpu.memref_slice %arg5[%dma_start3A_53, %dma_start3A_54] : memref<1000000x16xi32, #tpu.memory_space<hbm>> -> memref<1000000x16xi32, #tpu.memory_space<hbm>>
    tpu.enqueue_indirect_dma source(%dma_start3A_55 : memref<1000000x16xi32, #tpu.memory_space<hbm>>) target(%dma_start3A_49 : memref<128x16xi32, #tpu.memory_space<vmem>>) offsets(%dma_start3A_52 : memref<128xi32, #tpu.memory_space<vmem>>) semaphore(%arg17 : memref<!tpu.dma_semaphore, #tpu.memory_space<semaphore_mem>>)
    %dma_start3A_56 = arith.constant 1 : i32
    %dma_start3A_57 = arith.constant 128 : i32
    %dma_start3A_58 = tpu.memref_slice %arg15[%dma_start3A_57] : memref<512xf32, #tpu.memory_space<vmem>> -> memref<128xf32, #tpu.memory_space<vmem>>
    %dma_start3A_59 = arith.constant 0 : i32
    %dma_start3A_60 = tpu.memref_slice %arg11[%dma_start3A_56, %dma_start3A_59] : memref<4x128xi32, #tpu.memory_space<vmem>> -> memref<1x128xi32, #tpu.memory_space<vmem>>
    %dma_start3A_61 = tpu.memref_squeeze %dma_start3A_60 : memref<1x128xi32, #tpu.memory_space<vmem>> -> memref<128xi32, #tpu.memory_space<vmem>>
    %dma_start3A_62 = arith.constant 0 : i32
    %dma_start3A_63 = tpu.memref_slice %arg6[%dma_start3A_62] : memref<1000000xf32, #tpu.memory_space<hbm>> -> memref<1000000xf32, #tpu.memory_space<hbm>>
    tpu.enqueue_indirect_dma source(%dma_start3A_63 : memref<1000000xf32, #tpu.memory_space<hbm>>) target(%dma_start3A_58 : memref<128xf32, #tpu.memory_space<vmem>>) offsets(%dma_start3A_61 : memref<128xi32, #tpu.memory_space<vmem>>) semaphore(%arg17 : memref<!tpu.dma_semaphore, #tpu.memory_space<semaphore_mem>>)
    %dma_start3A_64 = arith.constant 1 : i32
    %dma_start3A_65 = arith.constant 128 : i32
    %dma_start3A_66 = tpu.memref_slice %arg16[%dma_start3A_65] : memref<512xf32, #tpu.memory_space<vmem>> -> memref<128xf32, #tpu.memory_space<vmem>>
    %dma_start3A_67 = arith.constant 0 : i32
    %dma_start3A_68 = tpu.memref_slice %arg12[%dma_start3A_64, %dma_start3A_67] : memref<4x128xi32, #tpu.memory_space<vmem>> -> memref<1x128xi32, #tpu.memory_space<vmem>>
    %dma_start3A_69 = tpu.memref_squeeze %dma_start3A_68 : memref<1x128xi32, #tpu.memory_space<vmem>> -> memref<128xi32, #tpu.memory_space<vmem>>
    %dma_start3A_70 = arith.constant 0 : i32
    %dma_start3A_71 = tpu.memref_slice %arg7[%dma_start3A_70] : memref<1000000xf32, #tpu.memory_space<hbm>> -> memref<1000000xf32, #tpu.memory_space<hbm>>
    tpu.enqueue_indirect_dma source(%dma_start3A_71 : memref<1000000xf32, #tpu.memory_space<hbm>>) target(%dma_start3A_66 : memref<128xf32, #tpu.memory_space<vmem>>) offsets(%dma_start3A_69 : memref<128xi32, #tpu.memory_space<vmem>>) semaphore(%arg17 : memref<!tpu.dma_semaphore, #tpu.memory_space<semaphore_mem>>)
    %dma_start3A_72 = arith.constant 2 : i32
    %dma_start3A_73 = arith.constant 256 : i32
    %dma_start3A_74 = arith.constant 0 : i32
    %dma_start3A_75 = tpu.memref_slice %arg13[%dma_start3A_73, %dma_start3A_74] : memref<512x16xi32, #tpu.memory_space<vmem>> -> memref<128x16xi32, #tpu.memory_space<vmem>>
    %dma_start3A_76 = arith.constant 0 : i32
    %dma_start3A_77 = tpu.memref_slice %arg11[%dma_start3A_72, %dma_start3A_76] : memref<4x128xi32, #tpu.memory_space<vmem>> -> memref<1x128xi32, #tpu.memory_space<vmem>>
    %dma_start3A_78 = tpu.memref_squeeze %dma_start3A_77 : memref<1x128xi32, #tpu.memory_space<vmem>> -> memref<128xi32, #tpu.memory_space<vmem>>
    %dma_start3A_79 = arith.constant 0 : i32
    %dma_start3A_80 = arith.constant 0 : i32
    %dma_start3A_81 = tpu.memref_slice %arg4[%dma_start3A_79, %dma_start3A_80] : memref<1000000x16xi32, #tpu.memory_space<hbm>> -> memref<1000000x16xi32, #tpu.memory_space<hbm>>
    tpu.enqueue_indirect_dma source(%dma_start3A_81 : memref<1000000x16xi32, #tpu.memory_space<hbm>>) target(%dma_start3A_75 : memref<128x16xi32, #tpu.memory_space<vmem>>) offsets(%dma_start3A_78 : memref<128xi32, #tpu.memory_space<vmem>>) semaphore(%arg17 : memref<!tpu.dma_semaphore, #tpu.memory_space<semaphore_mem>>)
    %dma_start3A_82 = arith.constant 2 : i32
    %dma_start3A_83 = arith.constant 256 : i32
    %dma_start3A_84 = arith.constant 0 : i32
    %dma_start3A_85 = tpu.memref_slice %arg14[%dma_start3A_83, %dma_start3A_84] : memref<512x16xi32, #tpu.memory_space<vmem>> -> memref<128x16xi32, #tpu.memory_space<vmem>>
    %dma_start3A_86 = arith.constant 0 : i32
    %dma_start3A_87 = tpu.memref_slice %arg12[%dma_start3A_82, %dma_start3A_86] : memref<4x128xi32, #tpu.memory_space<vmem>> -> memref<1x128xi32, #tpu.memory_space<vmem>>
    %dma_start3A_88 = tpu.memref_squeeze %dma_start3A_87 : memref<1x128xi32, #tpu.memory_space<vmem>> -> memref<128xi32, #tpu.memory_space<vmem>>
    %dma_start3A_89 = arith.constant 0 : i32
    %dma_start3A_90 = arith.constant 0 : i32
    %dma_start3A_91 = tpu.memref_slice %arg5[%dma_start3A_89, %dma_start3A_90] : memref<1000000x16xi32, #tpu.memory_space<hbm>> -> memref<1000000x16xi32, #tpu.memory_space<hbm>>
    tpu.enqueue_indirect_dma source(%dma_start3A_91 : memref<1000000x16xi32, #tpu.memory_space<hbm>>) target(%dma_start3A_85 : memref<128x16xi32, #tpu.memory_space<vmem>>) offsets(%dma_start3A_88 : memref<128xi32, #tpu.memory_space<vmem>>) semaphore(%arg17 : memref<!tpu.dma_semaphore, #tpu.memory_space<semaphore_mem>>)
    %dma_start3A_92 = arith.constant 2 : i32
    %dma_start3A_93 = arith.constant 256 : i32
    %dma_start3A_94 = tpu.memref_slice %arg15[%dma_start3A_93] : memref<512xf32, #tpu.memory_space<vmem>> -> memref<128xf32, #tpu.memory_space<vmem>>
    %dma_start3A_95 = arith.constant 0 : i32
    %dma_start3A_96 = tpu.memref_slice %arg11[%dma_start3A_92, %dma_start3A_95] : memref<4x128xi32, #tpu.memory_space<vmem>> -> memref<1x128xi32, #tpu.memory_space<vmem>>
    %dma_start3A_97 = tpu.memref_squeeze %dma_start3A_96 : memref<1x128xi32, #tpu.memory_space<vmem>> -> memref<128xi32, #tpu.memory_space<vmem>>
    %dma_start3A_98 = arith.constant 0 : i32
    %dma_start3A_99 = tpu.memref_slice %arg6[%dma_start3A_98] : memref<1000000xf32, #tpu.memory_space<hbm>> -> memref<1000000xf32, #tpu.memory_space<hbm>>
    tpu.enqueue_indirect_dma source(%dma_start3A_99 : memref<1000000xf32, #tpu.memory_space<hbm>>) target(%dma_start3A_94 : memref<128xf32, #tpu.memory_space<vmem>>) offsets(%dma_start3A_97 : memref<128xi32, #tpu.memory_space<vmem>>) semaphore(%arg17 : memref<!tpu.dma_semaphore, #tpu.memory_space<semaphore_mem>>)
    %dma_start3A_100 = arith.constant 2 : i32
    %dma_start3A_101 = arith.constant 256 : i32
    %dma_start3A_102 = tpu.memref_slice %arg16[%dma_start3A_101] : memref<512xf32, #tpu.memory_space<vmem>> -> memref<128xf32, #tpu.memory_space<vmem>>
    %dma_start3A_103 = arith.constant 0 : i32
    %dma_start3A_104 = tpu.memref_slice %arg12[%dma_start3A_100, %dma_start3A_103] : memref<4x128xi32, #tpu.memory_space<vmem>> -> memref<1x128xi32, #tpu.memory_space<vmem>>
    %dma_start3A_105 = tpu.memref_squeeze %dma_start3A_104 : memref<1x128xi32, #tpu.memory_space<vmem>> -> memref<128xi32, #tpu.memory_space<vmem>>
    %dma_start3A_106 = arith.constant 0 : i32
    %dma_start3A_107 = tpu.memref_slice %arg7[%dma_start3A_106] : memref<1000000xf32, #tpu.memory_space<hbm>> -> memref<1000000xf32, #tpu.memory_space<hbm>>
    tpu.enqueue_indirect_dma source(%dma_start3A_107 : memref<1000000xf32, #tpu.memory_space<hbm>>) target(%dma_start3A_102 : memref<128xf32, #tpu.memory_space<vmem>>) offsets(%dma_start3A_105 : memref<128xi32, #tpu.memory_space<vmem>>) semaphore(%arg17 : memref<!tpu.dma_semaphore, #tpu.memory_space<semaphore_mem>>)
    %dma_start3A_108 = arith.constant 3 : i32
    %dma_start3A_109 = arith.constant 384 : i32
    %dma_start3A_110 = arith.constant 0 : i32
    %dma_start3A_111 = tpu.memref_slice %arg13[%dma_start3A_109, %dma_start3A_110] : memref<512x16xi32, #tpu.memory_space<vmem>> -> memref<128x16xi32, #tpu.memory_space<vmem>>
    %dma_start3A_112 = arith.constant 0 : i32
    %dma_start3A_113 = tpu.memref_slice %arg11[%dma_start3A_108, %dma_start3A_112] : memref<4x128xi32, #tpu.memory_space<vmem>> -> memref<1x128xi32, #tpu.memory_space<vmem>>
    %dma_start3A_114 = tpu.memref_squeeze %dma_start3A_113 : memref<1x128xi32, #tpu.memory_space<vmem>> -> memref<128xi32, #tpu.memory_space<vmem>>
    %dma_start3A_115 = arith.constant 0 : i32
    %dma_start3A_116 = arith.constant 0 : i32
    %dma_start3A_117 = tpu.memref_slice %arg4[%dma_start3A_115, %dma_start3A_116] : memref<1000000x16xi32, #tpu.memory_space<hbm>> -> memref<1000000x16xi32, #tpu.memory_space<hbm>>
    tpu.enqueue_indirect_dma source(%dma_start3A_117 : memref<1000000x16xi32, #tpu.memory_space<hbm>>) target(%dma_start3A_111 : memref<128x16xi32, #tpu.memory_space<vmem>>) offsets(%dma_start3A_114 : memref<128xi32, #tpu.memory_space<vmem>>) semaphore(%arg17 : memref<!tpu.dma_semaphore, #tpu.memory_space<semaphore_mem>>)
    %dma_start3A_118 = arith.constant 3 : i32
    %dma_start3A_119 = arith.constant 384 : i32
    %dma_start3A_120 = arith.constant 0 : i32
    %dma_start3A_121 = tpu.memref_slice %arg14[%dma_start3A_119, %dma_start3A_120] : memref<512x16xi32, #tpu.memory_space<vmem>> -> memref<128x16xi32, #tpu.memory_space<vmem>>
    %dma_start3A_122 = arith.constant 0 : i32
    %dma_start3A_123 = tpu.memref_slice %arg12[%dma_start3A_118, %dma_start3A_122] : memref<4x128xi32, #tpu.memory_space<vmem>> -> memref<1x128xi32, #tpu.memory_space<vmem>>
    %dma_start3A_124 = tpu.memref_squeeze %dma_start3A_123 : memref<1x128xi32, #tpu.memory_space<vmem>> -> memref<128xi32, #tpu.memory_space<vmem>>
    %dma_start3A_125 = arith.constant 0 : i32
    %dma_start3A_126 = arith.constant 0 : i32
    %dma_start3A_127 = tpu.memref_slice %arg5[%dma_start3A_125, %dma_start3A_126] : memref<1000000x16xi32, #tpu.memory_space<hbm>> -> memref<1000000x16xi32, #tpu.memory_space<hbm>>
    tpu.enqueue_indirect_dma source(%dma_start3A_127 : memref<1000000x16xi32, #tpu.memory_space<hbm>>) target(%dma_start3A_121 : memref<128x16xi32, #tpu.memory_space<vmem>>) offsets(%dma_start3A_124 : memref<128xi32, #tpu.memory_space<vmem>>) semaphore(%arg17 : memref<!tpu.dma_semaphore, #tpu.memory_space<semaphore_mem>>)
    %dma_start3A_128 = arith.constant 3 : i32
    %dma_start3A_129 = arith.constant 384 : i32
    %dma_start3A_130 = tpu.memref_slice %arg15[%dma_start3A_129] : memref<512xf32, #tpu.memory_space<vmem>> -> memref<128xf32, #tpu.memory_space<vmem>>
    %dma_start3A_131 = arith.constant 0 : i32
    %dma_start3A_132 = tpu.memref_slice %arg11[%dma_start3A_128, %dma_start3A_131] : memref<4x128xi32, #tpu.memory_space<vmem>> -> memref<1x128xi32, #tpu.memory_space<vmem>>
    %dma_start3A_133 = tpu.memref_squeeze %dma_start3A_132 : memref<1x128xi32, #tpu.memory_space<vmem>> -> memref<128xi32, #tpu.memory_space<vmem>>
    %dma_start3A_134 = arith.constant 0 : i32
    %dma_start3A_135 = tpu.memref_slice %arg6[%dma_start3A_134] : memref<1000000xf32, #tpu.memory_space<hbm>> -> memref<1000000xf32, #tpu.memory_space<hbm>>
    tpu.enqueue_indirect_dma source(%dma_start3A_135 : memref<1000000xf32, #tpu.memory_space<hbm>>) target(%dma_start3A_130 : memref<128xf32, #tpu.memory_space<vmem>>) offsets(%dma_start3A_133 : memref<128xi32, #tpu.memory_space<vmem>>) semaphore(%arg17 : memref<!tpu.dma_semaphore, #tpu.memory_space<semaphore_mem>>)
    %dma_start3A_136 = arith.constant 3 : i32
    %dma_start3A_137 = arith.constant 384 : i32
    %dma_start3A_138 = tpu.memref_slice %arg16[%dma_start3A_137] : memref<512xf32, #tpu.memory_space<vmem>> -> memref<128xf32, #tpu.memory_space<vmem>>
    %dma_start3A_139 = arith.constant 0 : i32
    %dma_start3A_140 = tpu.memref_slice %arg12[%dma_start3A_136, %dma_start3A_139] : memref<4x128xi32, #tpu.memory_space<vmem>> -> memref<1x128xi32, #tpu.memory_space<vmem>>
    %dma_start3A_141 = tpu.memref_squeeze %dma_start3A_140 : memref<1x128xi32, #tpu.memory_space<vmem>> -> memref<128xi32, #tpu.memory_space<vmem>>
    %dma_start3A_142 = arith.constant 0 : i32
    %dma_start3A_143 = tpu.memref_slice %arg7[%dma_start3A_142] : memref<1000000xf32, #tpu.memory_space<hbm>> -> memref<1000000xf32, #tpu.memory_space<hbm>>
    tpu.enqueue_indirect_dma source(%dma_start3A_143 : memref<1000000xf32, #tpu.memory_space<hbm>>) target(%dma_start3A_138 : memref<128xf32, #tpu.memory_space<vmem>>) offsets(%dma_start3A_141 : memref<128xi32, #tpu.memory_space<vmem>>) semaphore(%arg17 : memref<!tpu.dma_semaphore, #tpu.memory_space<semaphore_mem>>)
    %dma_wait3A = arith.constant 0 : i32
    %dma_wait3A_144 = arith.constant 0 : i32
    %dma_wait3A_145 = arith.constant 0 : i32
    %dma_wait3A_146 = tpu.memref_slice %arg13[%dma_wait3A_144, %dma_wait3A_145] : memref<512x16xi32, #tpu.memory_space<vmem>> -> memref<128x16xi32, #tpu.memory_space<vmem>>
    %dma_wait3A_147 = arith.constant 0 : i32
    %dma_wait3A_148 = tpu.memref_slice %arg11[%dma_wait3A, %dma_wait3A_147] : memref<4x128xi32, #tpu.memory_space<vmem>> -> memref<1x128xi32, #tpu.memory_space<vmem>>
    %dma_wait3A_149 = tpu.memref_squeeze %dma_wait3A_148 : memref<1x128xi32, #tpu.memory_space<vmem>> -> memref<128xi32, #tpu.memory_space<vmem>>
    %dma_wait3A_150 = arith.constant 0 : i32
    %dma_wait3A_151 = arith.constant 0 : i32
    %dma_wait3A_152 = tpu.memref_slice %arg4[%dma_wait3A_150, %dma_wait3A_151] : memref<1000000x16xi32, #tpu.memory_space<hbm>> -> memref<1000000x16xi32, #tpu.memory_space<hbm>>
    tpu.wait_indirect_dma semaphore(%arg17 : memref<!tpu.dma_semaphore, #tpu.memory_space<semaphore_mem>>) src(%dma_wait3A_152 : memref<1000000x16xi32, #tpu.memory_space<hbm>>) dst(%dma_wait3A_146 : memref<128x16xi32, #tpu.memory_space<vmem>>)
    %dma_wait3A_153 = arith.constant 0 : i32
    %dma_wait3A_154 = arith.constant 0 : i32
    %dma_wait3A_155 = arith.constant 0 : i32
    %dma_wait3A_156 = tpu.memref_slice %arg14[%dma_wait3A_154, %dma_wait3A_155] : memref<512x16xi32, #tpu.memory_space<vmem>> -> memref<128x16xi32, #tpu.memory_space<vmem>>
    %dma_wait3A_157 = arith.constant 0 : i32
    %dma_wait3A_158 = tpu.memref_slice %arg12[%dma_wait3A_153, %dma_wait3A_157] : memref<4x128xi32, #tpu.memory_space<vmem>> -> memref<1x128xi32, #tpu.memory_space<vmem>>
    %dma_wait3A_159 = tpu.memref_squeeze %dma_wait3A_158 : memref<1x128xi32, #tpu.memory_space<vmem>> -> memref<128xi32, #tpu.memory_space<vmem>>
    %dma_wait3A_160 = arith.constant 0 : i32
    %dma_wait3A_161 = arith.constant 0 : i32
    %dma_wait3A_162 = tpu.memref_slice %arg5[%dma_wait3A_160, %dma_wait3A_161] : memref<1000000x16xi32, #tpu.memory_space<hbm>> -> memref<1000000x16xi32, #tpu.memory_space<hbm>>
    tpu.wait_indirect_dma semaphore(%arg17 : memref<!tpu.dma_semaphore, #tpu.memory_space<semaphore_mem>>) src(%dma_wait3A_162 : memref<1000000x16xi32, #tpu.memory_space<hbm>>) dst(%dma_wait3A_156 : memref<128x16xi32, #tpu.memory_space<vmem>>)
    %dma_wait3A_163 = arith.constant 0 : i32
    %dma_wait3A_164 = arith.constant 0 : i32
    %dma_wait3A_165 = tpu.memref_slice %arg15[%dma_wait3A_164] : memref<512xf32, #tpu.memory_space<vmem>> -> memref<128xf32, #tpu.memory_space<vmem>>
    %dma_wait3A_166 = arith.constant 0 : i32
    %dma_wait3A_167 = tpu.memref_slice %arg11[%dma_wait3A_163, %dma_wait3A_166] : memref<4x128xi32, #tpu.memory_space<vmem>> -> memref<1x128xi32, #tpu.memory_space<vmem>>
    %dma_wait3A_168 = tpu.memref_squeeze %dma_wait3A_167 : memref<1x128xi32, #tpu.memory_space<vmem>> -> memref<128xi32, #tpu.memory_space<vmem>>
    %dma_wait3A_169 = arith.constant 0 : i32
    %dma_wait3A_170 = tpu.memref_slice %arg6[%dma_wait3A_169] : memref<1000000xf32, #tpu.memory_space<hbm>> -> memref<1000000xf32, #tpu.memory_space<hbm>>
    tpu.wait_indirect_dma semaphore(%arg17 : memref<!tpu.dma_semaphore, #tpu.memory_space<semaphore_mem>>) src(%dma_wait3A_170 : memref<1000000xf32, #tpu.memory_space<hbm>>) dst(%dma_wait3A_165 : memref<128xf32, #tpu.memory_space<vmem>>)
    %dma_wait3A_171 = arith.constant 0 : i32
    %dma_wait3A_172 = arith.constant 0 : i32
    %dma_wait3A_173 = tpu.memref_slice %arg16[%dma_wait3A_172] : memref<512xf32, #tpu.memory_space<vmem>> -> memref<128xf32, #tpu.memory_space<vmem>>
    %dma_wait3A_174 = arith.constant 0 : i32
    %dma_wait3A_175 = tpu.memref_slice %arg12[%dma_wait3A_171, %dma_wait3A_174] : memref<4x128xi32, #tpu.memory_space<vmem>> -> memref<1x128xi32, #tpu.memory_space<vmem>>
    %dma_wait3A_176 = tpu.memref_squeeze %dma_wait3A_175 : memref<1x128xi32, #tpu.memory_space<vmem>> -> memref<128xi32, #tpu.memory_space<vmem>>
    %dma_wait3A_177 = arith.constant 0 : i32
    %dma_wait3A_178 = tpu.memref_slice %arg7[%dma_wait3A_177] : memref<1000000xf32, #tpu.memory_space<hbm>> -> memref<1000000xf32, #tpu.memory_space<hbm>>
    tpu.wait_indirect_dma semaphore(%arg17 : memref<!tpu.dma_semaphore, #tpu.memory_space<semaphore_mem>>) src(%dma_wait3A_178 : memref<1000000xf32, #tpu.memory_space<hbm>>) dst(%dma_wait3A_173 : memref<128xf32, #tpu.memory_space<vmem>>)
    %dma_wait3A_179 = arith.constant 1 : i32
    %dma_wait3A_180 = arith.constant 128 : i32
    %dma_wait3A_181 = arith.constant 0 : i32
    %dma_wait3A_182 = tpu.memref_slice %arg13[%dma_wait3A_180, %dma_wait3A_181] : memref<512x16xi32, #tpu.memory_space<vmem>> -> memref<128x16xi32, #tpu.memory_space<vmem>>
    %dma_wait3A_183 = arith.constant 0 : i32
    %dma_wait3A_184 = tpu.memref_slice %arg11[%dma_wait3A_179, %dma_wait3A_183] : memref<4x128xi32, #tpu.memory_space<vmem>> -> memref<1x128xi32, #tpu.memory_space<vmem>>
    %dma_wait3A_185 = tpu.memref_squeeze %dma_wait3A_184 : memref<1x128xi32, #tpu.memory_space<vmem>> -> memref<128xi32, #tpu.memory_space<vmem>>
    %dma_wait3A_186 = arith.constant 0 : i32
    %dma_wait3A_187 = arith.constant 0 : i32
    %dma_wait3A_188 = tpu.memref_slice %arg4[%dma_wait3A_186, %dma_wait3A_187] : memref<1000000x16xi32, #tpu.memory_space<hbm>> -> memref<1000000x16xi32, #tpu.memory_space<hbm>>
    tpu.wait_indirect_dma semaphore(%arg17 : memref<!tpu.dma_semaphore, #tpu.memory_space<semaphore_mem>>) src(%dma_wait3A_188 : memref<1000000x16xi32, #tpu.memory_space<hbm>>) dst(%dma_wait3A_182 : memref<128x16xi32, #tpu.memory_space<vmem>>)
    %dma_wait3A_189 = arith.constant 1 : i32
    %dma_wait3A_190 = arith.constant 128 : i32
    %dma_wait3A_191 = arith.constant 0 : i32
    %dma_wait3A_192 = tpu.memref_slice %arg14[%dma_wait3A_190, %dma_wait3A_191] : memref<512x16xi32, #tpu.memory_space<vmem>> -> memref<128x16xi32, #tpu.memory_space<vmem>>
    %dma_wait3A_193 = arith.constant 0 : i32
    %dma_wait3A_194 = tpu.memref_slice %arg12[%dma_wait3A_189, %dma_wait3A_193] : memref<4x128xi32, #tpu.memory_space<vmem>> -> memref<1x128xi32, #tpu.memory_space<vmem>>
    %dma_wait3A_195 = tpu.memref_squeeze %dma_wait3A_194 : memref<1x128xi32, #tpu.memory_space<vmem>> -> memref<128xi32, #tpu.memory_space<vmem>>
    %dma_wait3A_196 = arith.constant 0 : i32
    %dma_wait3A_197 = arith.constant 0 : i32
    %dma_wait3A_198 = tpu.memref_slice %arg5[%dma_wait3A_196, %dma_wait3A_197] : memref<1000000x16xi32, #tpu.memory_space<hbm>> -> memref<1000000x16xi32, #tpu.memory_space<hbm>>
    tpu.wait_indirect_dma semaphore(%arg17 : memref<!tpu.dma_semaphore, #tpu.memory_space<semaphore_mem>>) src(%dma_wait3A_198 : memref<1000000x16xi32, #tpu.memory_space<hbm>>) dst(%dma_wait3A_192 : memref<128x16xi32, #tpu.memory_space<vmem>>)
    %dma_wait3A_199 = arith.constant 1 : i32
    %dma_wait3A_200 = arith.constant 128 : i32
    %dma_wait3A_201 = tpu.memref_slice %arg15[%dma_wait3A_200] : memref<512xf32, #tpu.memory_space<vmem>> -> memref<128xf32, #tpu.memory_space<vmem>>
    %dma_wait3A_202 = arith.constant 0 : i32
    %dma_wait3A_203 = tpu.memref_slice %arg11[%dma_wait3A_199, %dma_wait3A_202] : memref<4x128xi32, #tpu.memory_space<vmem>> -> memref<1x128xi32, #tpu.memory_space<vmem>>
    %dma_wait3A_204 = tpu.memref_squeeze %dma_wait3A_203 : memref<1x128xi32, #tpu.memory_space<vmem>> -> memref<128xi32, #tpu.memory_space<vmem>>
    %dma_wait3A_205 = arith.constant 0 : i32
    %dma_wait3A_206 = tpu.memref_slice %arg6[%dma_wait3A_205] : memref<1000000xf32, #tpu.memory_space<hbm>> -> memref<1000000xf32, #tpu.memory_space<hbm>>
    tpu.wait_indirect_dma semaphore(%arg17 : memref<!tpu.dma_semaphore, #tpu.memory_space<semaphore_mem>>) src(%dma_wait3A_206 : memref<1000000xf32, #tpu.memory_space<hbm>>) dst(%dma_wait3A_201 : memref<128xf32, #tpu.memory_space<vmem>>)
    %dma_wait3A_207 = arith.constant 1 : i32
    %dma_wait3A_208 = arith.constant 128 : i32
    %dma_wait3A_209 = tpu.memref_slice %arg16[%dma_wait3A_208] : memref<512xf32, #tpu.memory_space<vmem>> -> memref<128xf32, #tpu.memory_space<vmem>>
    %dma_wait3A_210 = arith.constant 0 : i32
    %dma_wait3A_211 = tpu.memref_slice %arg12[%dma_wait3A_207, %dma_wait3A_210] : memref<4x128xi32, #tpu.memory_space<vmem>> -> memref<1x128xi32, #tpu.memory_space<vmem>>
    %dma_wait3A_212 = tpu.memref_squeeze %dma_wait3A_211 : memref<1x128xi32, #tpu.memory_space<vmem>> -> memref<128xi32, #tpu.memory_space<vmem>>
    %dma_wait3A_213 = arith.constant 0 : i32
    %dma_wait3A_214 = tpu.memref_slice %arg7[%dma_wait3A_213] : memref<1000000xf32, #tpu.memory_space<hbm>> -> memref<1000000xf32, #tpu.memory_space<hbm>>
    tpu.wait_indirect_dma semaphore(%arg17 : memref<!tpu.dma_semaphore, #tpu.memory_space<semaphore_mem>>) src(%dma_wait3A_214 : memref<1000000xf32, #tpu.memory_space<hbm>>) dst(%dma_wait3A_209 : memref<128xf32, #tpu.memory_space<vmem>>)
    %dma_wait3A_215 = arith.constant 2 : i32
    %dma_wait3A_216 = arith.constant 256 : i32
    %dma_wait3A_217 = arith.constant 0 : i32
    %dma_wait3A_218 = tpu.memref_slice %arg13[%dma_wait3A_216, %dma_wait3A_217] : memref<512x16xi32, #tpu.memory_space<vmem>> -> memref<128x16xi32, #tpu.memory_space<vmem>>
    %dma_wait3A_219 = arith.constant 0 : i32
    %dma_wait3A_220 = tpu.memref_slice %arg11[%dma_wait3A_215, %dma_wait3A_219] : memref<4x128xi32, #tpu.memory_space<vmem>> -> memref<1x128xi32, #tpu.memory_space<vmem>>
    %dma_wait3A_221 = tpu.memref_squeeze %dma_wait3A_220 : memref<1x128xi32, #tpu.memory_space<vmem>> -> memref<128xi32, #tpu.memory_space<vmem>>
    %dma_wait3A_222 = arith.constant 0 : i32
    %dma_wait3A_223 = arith.constant 0 : i32
    %dma_wait3A_224 = tpu.memref_slice %arg4[%dma_wait3A_222, %dma_wait3A_223] : memref<1000000x16xi32, #tpu.memory_space<hbm>> -> memref<1000000x16xi32, #tpu.memory_space<hbm>>
    tpu.wait_indirect_dma semaphore(%arg17 : memref<!tpu.dma_semaphore, #tpu.memory_space<semaphore_mem>>) src(%dma_wait3A_224 : memref<1000000x16xi32, #tpu.memory_space<hbm>>) dst(%dma_wait3A_218 : memref<128x16xi32, #tpu.memory_space<vmem>>)
    %dma_wait3A_225 = arith.constant 2 : i32
    %dma_wait3A_226 = arith.constant 256 : i32
    %dma_wait3A_227 = arith.constant 0 : i32
    %dma_wait3A_228 = tpu.memref_slice %arg14[%dma_wait3A_226, %dma_wait3A_227] : memref<512x16xi32, #tpu.memory_space<vmem>> -> memref<128x16xi32, #tpu.memory_space<vmem>>
    %dma_wait3A_229 = arith.constant 0 : i32
    %dma_wait3A_230 = tpu.memref_slice %arg12[%dma_wait3A_225, %dma_wait3A_229] : memref<4x128xi32, #tpu.memory_space<vmem>> -> memref<1x128xi32, #tpu.memory_space<vmem>>
    %dma_wait3A_231 = tpu.memref_squeeze %dma_wait3A_230 : memref<1x128xi32, #tpu.memory_space<vmem>> -> memref<128xi32, #tpu.memory_space<vmem>>
    %dma_wait3A_232 = arith.constant 0 : i32
    %dma_wait3A_233 = arith.constant 0 : i32
    %dma_wait3A_234 = tpu.memref_slice %arg5[%dma_wait3A_232, %dma_wait3A_233] : memref<1000000x16xi32, #tpu.memory_space<hbm>> -> memref<1000000x16xi32, #tpu.memory_space<hbm>>
    tpu.wait_indirect_dma semaphore(%arg17 : memref<!tpu.dma_semaphore, #tpu.memory_space<semaphore_mem>>) src(%dma_wait3A_234 : memref<1000000x16xi32, #tpu.memory_space<hbm>>) dst(%dma_wait3A_228 : memref<128x16xi32, #tpu.memory_space<vmem>>)
    %dma_wait3A_235 = arith.constant 2 : i32
    %dma_wait3A_236 = arith.constant 256 : i32
    %dma_wait3A_237 = tpu.memref_slice %arg15[%dma_wait3A_236] : memref<512xf32, #tpu.memory_space<vmem>> -> memref<128xf32, #tpu.memory_space<vmem>>
    %dma_wait3A_238 = arith.constant 0 : i32
    %dma_wait3A_239 = tpu.memref_slice %arg11[%dma_wait3A_235, %dma_wait3A_238] : memref<4x128xi32, #tpu.memory_space<vmem>> -> memref<1x128xi32, #tpu.memory_space<vmem>>
    %dma_wait3A_240 = tpu.memref_squeeze %dma_wait3A_239 : memref<1x128xi32, #tpu.memory_space<vmem>> -> memref<128xi32, #tpu.memory_space<vmem>>
    %dma_wait3A_241 = arith.constant 0 : i32
    %dma_wait3A_242 = tpu.memref_slice %arg6[%dma_wait3A_241] : memref<1000000xf32, #tpu.memory_space<hbm>> -> memref<1000000xf32, #tpu.memory_space<hbm>>
    tpu.wait_indirect_dma semaphore(%arg17 : memref<!tpu.dma_semaphore, #tpu.memory_space<semaphore_mem>>) src(%dma_wait3A_242 : memref<1000000xf32, #tpu.memory_space<hbm>>) dst(%dma_wait3A_237 : memref<128xf32, #tpu.memory_space<vmem>>)
    %dma_wait3A_243 = arith.constant 2 : i32
    %dma_wait3A_244 = arith.constant 256 : i32
    %dma_wait3A_245 = tpu.memref_slice %arg16[%dma_wait3A_244] : memref<512xf32, #tpu.memory_space<vmem>> -> memref<128xf32, #tpu.memory_space<vmem>>
    %dma_wait3A_246 = arith.constant 0 : i32
    %dma_wait3A_247 = tpu.memref_slice %arg12[%dma_wait3A_243, %dma_wait3A_246] : memref<4x128xi32, #tpu.memory_space<vmem>> -> memref<1x128xi32, #tpu.memory_space<vmem>>
    %dma_wait3A_248 = tpu.memref_squeeze %dma_wait3A_247 : memref<1x128xi32, #tpu.memory_space<vmem>> -> memref<128xi32, #tpu.memory_space<vmem>>
    %dma_wait3A_249 = arith.constant 0 : i32
    %dma_wait3A_250 = tpu.memref_slice %arg7[%dma_wait3A_249] : memref<1000000xf32, #tpu.memory_space<hbm>> -> memref<1000000xf32, #tpu.memory_space<hbm>>
    tpu.wait_indirect_dma semaphore(%arg17 : memref<!tpu.dma_semaphore, #tpu.memory_space<semaphore_mem>>) src(%dma_wait3A_250 : memref<1000000xf32, #tpu.memory_space<hbm>>) dst(%dma_wait3A_245 : memref<128xf32, #tpu.memory_space<vmem>>)
    %dma_wait3A_251 = arith.constant 3 : i32
    %dma_wait3A_252 = arith.constant 384 : i32
    %dma_wait3A_253 = arith.constant 0 : i32
    %dma_wait3A_254 = tpu.memref_slice %arg13[%dma_wait3A_252, %dma_wait3A_253] : memref<512x16xi32, #tpu.memory_space<vmem>> -> memref<128x16xi32, #tpu.memory_space<vmem>>
    %dma_wait3A_255 = arith.constant 0 : i32
    %dma_wait3A_256 = tpu.memref_slice %arg11[%dma_wait3A_251, %dma_wait3A_255] : memref<4x128xi32, #tpu.memory_space<vmem>> -> memref<1x128xi32, #tpu.memory_space<vmem>>
    %dma_wait3A_257 = tpu.memref_squeeze %dma_wait3A_256 : memref<1x128xi32, #tpu.memory_space<vmem>> -> memref<128xi32, #tpu.memory_space<vmem>>
    %dma_wait3A_258 = arith.constant 0 : i32
    %dma_wait3A_259 = arith.constant 0 : i32
    %dma_wait3A_260 = tpu.memref_slice %arg4[%dma_wait3A_258, %dma_wait3A_259] : memref<1000000x16xi32, #tpu.memory_space<hbm>> -> memref<1000000x16xi32, #tpu.memory_space<hbm>>
    tpu.wait_indirect_dma semaphore(%arg17 : memref<!tpu.dma_semaphore, #tpu.memory_space<semaphore_mem>>) src(%dma_wait3A_260 : memref<1000000x16xi32, #tpu.memory_space<hbm>>) dst(%dma_wait3A_254 : memref<128x16xi32, #tpu.memory_space<vmem>>)
    %dma_wait3A_261 = arith.constant 3 : i32
    %dma_wait3A_262 = arith.constant 384 : i32
    %dma_wait3A_263 = arith.constant 0 : i32
    %dma_wait3A_264 = tpu.memref_slice %arg14[%dma_wait3A_262, %dma_wait3A_263] : memref<512x16xi32, #tpu.memory_space<vmem>> -> memref<128x16xi32, #tpu.memory_space<vmem>>
    %dma_wait3A_265 = arith.constant 0 : i32
    %dma_wait3A_266 = tpu.memref_slice %arg12[%dma_wait3A_261, %dma_wait3A_265] : memref<4x128xi32, #tpu.memory_space<vmem>> -> memref<1x128xi32, #tpu.memory_space<vmem>>
    %dma_wait3A_267 = tpu.memref_squeeze %dma_wait3A_266 : memref<1x128xi32, #tpu.memory_space<vmem>> -> memref<128xi32, #tpu.memory_space<vmem>>
    %dma_wait3A_268 = arith.constant 0 : i32
    %dma_wait3A_269 = arith.constant 0 : i32
    %dma_wait3A_270 = tpu.memref_slice %arg5[%dma_wait3A_268, %dma_wait3A_269] : memref<1000000x16xi32, #tpu.memory_space<hbm>> -> memref<1000000x16xi32, #tpu.memory_space<hbm>>
    tpu.wait_indirect_dma semaphore(%arg17 : memref<!tpu.dma_semaphore, #tpu.memory_space<semaphore_mem>>) src(%dma_wait3A_270 : memref<1000000x16xi32, #tpu.memory_space<hbm>>) dst(%dma_wait3A_264 : memref<128x16xi32, #tpu.memory_space<vmem>>)
    %dma_wait3A_271 = arith.constant 3 : i32
    %dma_wait3A_272 = arith.constant 384 : i32
    %dma_wait3A_273 = tpu.memref_slice %arg15[%dma_wait3A_272] : memref<512xf32, #tpu.memory_space<vmem>> -> memref<128xf32, #tpu.memory_space<vmem>>
    %dma_wait3A_274 = arith.constant 0 : i32
    %dma_wait3A_275 = tpu.memref_slice %arg11[%dma_wait3A_271, %dma_wait3A_274] : memref<4x128xi32, #tpu.memory_space<vmem>> -> memref<1x128xi32, #tpu.memory_space<vmem>>
    %dma_wait3A_276 = tpu.memref_squeeze %dma_wait3A_275 : memref<1x128xi32, #tpu.memory_space<vmem>> -> memref<128xi32, #tpu.memory_space<vmem>>
    %dma_wait3A_277 = arith.constant 0 : i32
    %dma_wait3A_278 = tpu.memref_slice %arg6[%dma_wait3A_277] : memref<1000000xf32, #tpu.memory_space<hbm>> -> memref<1000000xf32, #tpu.memory_space<hbm>>
    tpu.wait_indirect_dma semaphore(%arg17 : memref<!tpu.dma_semaphore, #tpu.memory_space<semaphore_mem>>) src(%dma_wait3A_278 : memref<1000000xf32, #tpu.memory_space<hbm>>) dst(%dma_wait3A_273 : memref<128xf32, #tpu.memory_space<vmem>>)
    %dma_wait3A_279 = arith.constant 3 : i32
    %dma_wait3A_280 = arith.constant 384 : i32
    %dma_wait3A_281 = tpu.memref_slice %arg16[%dma_wait3A_280] : memref<512xf32, #tpu.memory_space<vmem>> -> memref<128xf32, #tpu.memory_space<vmem>>
    %dma_wait3A_282 = arith.constant 0 : i32
    %dma_wait3A_283 = tpu.memref_slice %arg12[%dma_wait3A_279, %dma_wait3A_282] : memref<4x128xi32, #tpu.memory_space<vmem>> -> memref<1x128xi32, #tpu.memory_space<vmem>>
    %dma_wait3A_284 = tpu.memref_squeeze %dma_wait3A_283 : memref<1x128xi32, #tpu.memory_space<vmem>> -> memref<128xi32, #tpu.memory_space<vmem>>
    %dma_wait3A_285 = arith.constant 0 : i32
    %dma_wait3A_286 = tpu.memref_slice %arg7[%dma_wait3A_285] : memref<1000000xf32, #tpu.memory_space<hbm>> -> memref<1000000xf32, #tpu.memory_space<hbm>>
    tpu.wait_indirect_dma semaphore(%arg17 : memref<!tpu.dma_semaphore, #tpu.memory_space<semaphore_mem>>) src(%dma_wait3A_286 : memref<1000000xf32, #tpu.memory_space<hbm>>) dst(%dma_wait3A_281 : memref<128xf32, #tpu.memory_space<vmem>>)
    %scan3A = arith.constant 0 : i32
    %scan3A_287 = arith.constant 0 : i32
    %scan3A_288 = arith.constant 32 : i32
    %scan3A_289 = arith.addi %scan3A_287, %scan3A_288 : i32
    %scan3A_290 = arith.constant 1 : i32
    scf.for %scan3A_294 = %scan3A_287 to %scan3A_289 step %scan3A_290  : i32 {
      %mul3A_295 = arith.constant 16 : i32
      %mul3A_296 = arith.muli %scan3A_294, %mul3A_295 : i32
      %get3A = arith.index_cast %mul3A_296 : i32 to index
      %get3A_297 = tpu.vector_load %arg15[%get3A] {strides = array<i32>} : memref<512xf32, #tpu.memory_space<vmem>>, vector<16xf32>,
      %get3A_298 = vector.shape_cast %get3A_297 : vector<16xf32> to vector<16xf32>
      %get3A_299 = arith.index_cast %mul3A_296 : i32 to index
      %get3A_300 = tpu.vector_load %arg16[%get3A_299] {strides = array<i32>} : memref<512xf32, #tpu.memory_space<vmem>>, vector<16xf32>,
      %get3A_301 = vector.shape_cast %get3A_300 : vector<16xf32> to vector<16xf32>
      %add3A_302 = arith.addf %get3A_298, %get3A_301 : vector<16xf32>
      %swap3A = arith.index_cast %mul3A_296 : i32 to index
      %swap3A_303 = tpu.vector_load %arg15[%swap3A] {strides = array<i32>} : memref<512xf32, #tpu.memory_space<vmem>>, vector<16xf32>,
      %swap3A_304 = vector.shape_cast %swap3A_303 : vector<16xf32> to vector<16xf32>
      %swap3A_305 = vector.shape_cast %add3A_302 : vector<16xf32> to vector<16xf32>
      tpu.vector_store %arg15[%swap3A], %swap3A_305 {strides = array<i32>} : memref<512xf32, #tpu.memory_space<vmem>>, vector<16xf32>,
    }
    %scan3A_291 = arith.constant 32 : i32
    %mul3A_292 = arith.constant 512 : i32
    %mul3A_293 = arith.muli %add3A, %mul3A_292 : i32
    "tpu.region"() ({
      %run_scoped3A = tpu.sem_alloc : memref<!tpu.dma_semaphore, #tpu.memory_space<semaphore_mem>>
      %dma_start3A_294 = arith.constant 0 : i32
      %dma_start3A_295 = tpu.memref_slice %arg8[%mul3A_293, %dma_start3A_294] : memref<16384x16xi32, #tpu.memory_space<hbm>> -> memref<512x16xi32, #tpu.memory_space<hbm>>
      %dma_start3A_296 = arith.constant 0 : i32
      %dma_start3A_297 = tpu.memref_slice %arg8[%mul3A_293, %dma_start3A_296] : memref<16384x16xi32, #tpu.memory_space<hbm>> -> memref<512x16xi32, #tpu.memory_space<hbm>>
      tpu.enqueue_dma source(%arg13 : memref<512x16xi32, #tpu.memory_space<vmem>>) target(%dma_start3A_297 : memref<512x16xi32, #tpu.memory_space<hbm>>) target_semaphore(%run_scoped3A : memref<!tpu.dma_semaphore, #tpu.memory_space<semaphore_mem>>)
      %dma_wait3A_298 = arith.constant 0 : i32
      %dma_wait3A_299 = tpu.memref_slice %arg8[%mul3A_293, %dma_wait3A_298] : memref<16384x16xi32, #tpu.memory_space<hbm>> -> memref<512x16xi32, #tpu.memory_space<hbm>>
      %dma_wait3A_300 = arith.constant 0 : i32
      %dma_wait3A_301 = tpu.memref_slice %arg8[%mul3A_293, %dma_wait3A_300] : memref<16384x16xi32, #tpu.memory_space<hbm>> -> memref<512x16xi32, #tpu.memory_space<hbm>>
      tpu.wait_dma2 semaphore(%run_scoped3A : memref<!tpu.dma_semaphore, #tpu.memory_space<semaphore_mem>>) src(%arg13 : memref<512x16xi32, #tpu.memory_space<vmem>>) dst(%dma_wait3A_301 : memref<512x16xi32, #tpu.memory_space<hbm>>)
      tpu.yield
    }) : () -> ()
    "tpu.region"() ({
      %run_scoped3A = tpu.sem_alloc : memref<!tpu.dma_semaphore, #tpu.memory_space<semaphore_mem>>
      %dma_start3A_294 = arith.constant 0 : i32
      %dma_start3A_295 = tpu.memref_slice %arg9[%mul3A_293, %dma_start3A_294] : memref<16384x16xi32, #tpu.memory_space<hbm>> -> memref<512x16xi32, #tpu.memory_space<hbm>>
      %dma_start3A_296 = arith.constant 0 : i32
      %dma_start3A_297 = tpu.memref_slice %arg9[%mul3A_293, %dma_start3A_296] : memref<16384x16xi32, #tpu.memory_space<hbm>> -> memref<512x16xi32, #tpu.memory_space<hbm>>
      tpu.enqueue_dma source(%arg14 : memref<512x16xi32, #tpu.memory_space<vmem>>) target(%dma_start3A_297 : memref<512x16xi32, #tpu.memory_space<hbm>>) target_semaphore(%run_scoped3A : memref<!tpu.dma_semaphore, #tpu.memory_space<semaphore_mem>>)
      %dma_wait3A_298 = arith.constant 0 : i32
      %dma_wait3A_299 = tpu.memref_slice %arg9[%mul3A_293, %dma_wait3A_298] : memref<16384x16xi32, #tpu.memory_space<hbm>> -> memref<512x16xi32, #tpu.memory_space<hbm>>
      %dma_wait3A_300 = arith.constant 0 : i32
      %dma_wait3A_301 = tpu.memref_slice %arg9[%mul3A_293, %dma_wait3A_300] : memref<16384x16xi32, #tpu.memory_space<hbm>> -> memref<512x16xi32, #tpu.memory_space<hbm>>
      tpu.wait_dma2 semaphore(%run_scoped3A : memref<!tpu.dma_semaphore, #tpu.memory_space<semaphore_mem>>) src(%arg14 : memref<512x16xi32, #tpu.memory_space<vmem>>) dst(%dma_wait3A_301 : memref<512x16xi32, #tpu.memory_space<hbm>>)
      tpu.yield
    }) : () -> ()
    "tpu.region"() ({
      %run_scoped3A = tpu.sem_alloc : memref<!tpu.dma_semaphore, #tpu.memory_space<semaphore_mem>>
      %dma_start3A_294 = tpu.memref_slice %arg10[%mul3A_293] : memref<16384xf32, #tpu.memory_space<hbm>> -> memref<512xf32, #tpu.memory_space<hbm>>
      %dma_start3A_295 = tpu.memref_slice %arg10[%mul3A_293] : memref<16384xf32, #tpu.memory_space<hbm>> -> memref<512xf32, #tpu.memory_space<hbm>>
      tpu.enqueue_dma source(%arg15 : memref<512xf32, #tpu.memory_space<vmem>>) target(%dma_start3A_295 : memref<512xf32, #tpu.memory_space<hbm>>) target_semaphore(%run_scoped3A : memref<!tpu.dma_semaphore, #tpu.memory_space<semaphore_mem>>)
      %dma_wait3A_296 = tpu.memref_slice %arg10[%mul3A_293] : memref<16384xf32, #tpu.memory_space<hbm>> -> memref<512xf32, #tpu.memory_space<hbm>>
      %dma_wait3A_297 = tpu.memref_slice %arg10[%mul3A_293] : memref<16384xf32, #tpu.memory_space<hbm>> -> memref<512xf32, #tpu.memory_space<hbm>>
      tpu.wait_dma2 semaphore(%run_scoped3A : memref<!tpu.dma_semaphore, #tpu.memory_space<semaphore_mem>>) src(%arg15 : memref<512xf32, #tpu.memory_space<vmem>>) dst(%dma_wait3A_297 : memref<512xf32, #tpu.memory_space<hbm>>)
      tpu.yield
    }) : () -> ()
    return
  }
}

</mosaic_0001>

<sc_bundles>
// kernel: _run.3.cloned.1.call-start
scs
__scs_entry_jumppad:
0x0: {  	(pc) =	sbr.rel $0x88, $3  }
0x1: {  	(tag) =	ssettag $0x0;
	lr =	simm.s32 $0x1  }
0x2: {  	[smem:$0x3F9B] =	sst lr;
	_ =	strace $0xD0000000  }
0x3: {  	_ = 	snop  }
0x4: {  	_ = 	snop  }
0x5: {  	_ = 	snop  }
0x6: {  	_ = 	snop  }
0x7: {  	_ = 	snop  }
__scs_overlays_trampoline_lowered:
0x8: {  	[smem:$0x3FAA] =	sst s0  }
0x9: {  	[smem:$0x3FAB] =	sst s1  }
0xa: {  	[smem:$0x3FAC] =	sst s2  }
0xb: {  	[smem:$0x3FAD] =	sst s3  }
0xc: {  	[smem:$0x3FAE] =	sst s4  }
0xd: {  	[smem:$0x3FAF] =	sst s5  }
0xe: {  	[smem:$0x3FB0] =	sst s6  }
0xf: {  	[smem:$0x3FB1] =	sst s7  }
0x10: {  	[smem:$0x3FB2] =	sst s8  }
0x11: {  	[smem:$0x3FB3] =	sst s9;
	s0 =	simm.s32 @!p0 $0x0  }
0x12: {  	s1 =	sld [smem:$0x3F99];
	s0 =	simm.s32 @p0 $0x1  }
0x13: {  	[smem:$0x3FB4] =	sst s0;
	s0 =	simm.s32 @!p1 $0x0  }
0x14: {  	s2 =	sld [smem:$0x3F98];
	s0 =	simm.s32 @p1 $0x1  }
0x15: {  	[smem:$0x3FB5] =	sst s0;
	s0 =	simm.s32 @!p2 $0x0  }
0x16: {  	s3 =	sld [smem:$0x3FDB];
	s0 =	simm.s32 @p2 $0x1  }
0x17: {  	s4 =	simm.s32 $0x1BF5;
	[smem:$0x3FB7] =	sst s0  }
0x18: {  	s0 =	sld [smem:$0x3F9A];
	_ =	swait.ge [sflag:s4], $0x0  }
0x19: {  	s7 =	sld [smem:$0x3F9B]  }
0x1a: {  	s8 =	sadd.s32 $0xFFFFE003, lr  }
0x1b: {  	s9 =	sadd.s32 $0xFFFFFEF7, lr;
	s5 =	simm.s32 $0xFFFFFFFF;
	p2 =	slt.u32 s8, $0xFFFFF086  }
0x1c: {  	p1 =	slt.u32 s9, $0xF7A;
	s5 =	simm.s32 @!p2 $0x0  }
0x1d: {  	s5 =	simm.s32 @p1 $0x1;
	p0 =	seq.s32 s7, s2  }
0x1e: {  	s7 =	smul.u32 @!p0 $0xF7A, s2;
	p2 =	seq.s32 @!p0 s5, $0x0  }
0x1f: {  	s9 =	smul.u32 $0xF7A, s1;
	s8 =	simm.s32 @!p0 $0x1BF5;
	p2 =	por !p2, p0  }
0x20: {  	[sflag:s8] =	ssyncset.s32 @!p0 $0xFFFFF086;
	s6 =	sadd.s32 @!p0 s3, s7;
	s7 =	simm.s32 @!p0 $0x108  }
0x21: {  	s3 =	sadd.s32 s3, s9;
	s6 =	sadd.s32 @!p0 $0x88, s6;
	s7 =	simm.s32 @p2 $0x1082  }
0x22: {  	[simem:s7], [sflag:s8] =	dma.local @!p0 [hbm:s6], $0xF7A  }
0x23: {  	s9 =	sor.u32 $0xD0000000, s2;
	s6 =	simm.s32 $0x108;
	_ =	swait.ge @!p0 [sflag:s8], $0x0  }
0x24: {  	s3 =	sadd.s32 $0x88, s3;
	s6 =	simm.s32 @!p1 $0x1082;
	[sflag:s4] =	ssyncset.s32 $0xFFFFF086  }
0x25: {  	[simem:s6], [sflag:s4] =	dma.local [hbm:s3], $0xF7A  }
0x26: {  	[smem:$0x3F9B] =	sst s1;
	(tag) =	ssettag s2;
	_ =	strace s9  }
0x27: {  	s1 =	sld [smem:$0x3FAB]  }
0x28: {  	s2 =	sld [smem:$0x3FAC]  }
0x29: {  	s4 =	sld [smem:$0x3FAE]  }
0x2a: {  	p0 =	seq.s32 s5, $0x0;
	s5 =	sld [smem:$0x3FAF]  }
0x2b: {  	s6 =	sld [smem:$0x3FB0]  }
0x2c: {  	s7 =	sld [smem:$0x3FB1]  }
0x2d: {  	s3 =	simm.s32 $0x108;
	s8 =	sld [smem:$0x3FB2]  }
0x2e: {  	s3 =	simm.s32 @!p0 $0x1082;
	s9 =	sld [smem:$0x3FB3]  }
0x2f: {  	lr =	sadd.s32 s0, s3;
	s0 =	sld [smem:$0x3FAA]  }
0x30: {  	s3 =	sld [smem:$0x3FAD]  }
0x31: {  	[smem:$0x3FB6] =	sst s10  }
0x32: {  	s10 =	sld [smem:$0x3FB4];
	_ =	sdelay $0x3  }
0x33: {  	p0 =	seq.s32 s10, $0x1;
	s10 =	sld [smem:$0x3FB6];
	_ =	sdelay $0x3  }
0x34: {  	[smem:$0x3FB6] =	sst s10  }
0x35: {  	s10 =	sld [smem:$0x3FB5];
	_ =	sdelay $0x3  }
0x36: {  	p1 =	seq.s32 s10, $0x1;
	s10 =	sld [smem:$0x3FB6];
	_ =	sdelay $0x3  }
0x37: {  	[smem:$0x3FB6] =	sst s10  }
0x38: {  	s10 =	sld [smem:$0x3FB7]  }
0x39: {  	_ = 	snop;
	(pc) =	sbr.ind lr, $3  }
0x3a: {  	_ = 	snop  }
0x3b: {  	_ = 	snop  }
0x3c: {  	p2 =	seq.s32 s10, $0x1;
	s10 =	sld [smem:$0x3FB6]  }
0x3d: {  	_ =	shalt  }
0x3e: {  	_ =	shalt  }
0x3f: {  	_ =	shalt  }
0x40: {  	_ =	shalt  }
0x41: {  	_ =	shalt  }
0x42: {  	_ =	shalt  }
0x43: {  	_ =	shalt  }
0x44: {  	_ =	shalt  }
0x45: {  	_ =	shalt  }
0x46: {  	_ =	shalt  }
0x47: {  	_ =	shalt  }
0x48: {  	_ =	shalt  }
0x49: {  	_ =	shalt  }
0x4a: {  	_ =	shalt  }
0x4b: {  	_ =	shalt  }
0x4c: {  	_ =	shalt  }
0x4d: {  	_ =	shalt  }
0x4e: {  	_ =	shalt  }
0x4f: {  	_ =	shalt  }
0x50: {  	_ =	shalt  }
0x51: {  	_ =	shalt  }
0x52: {  	_ =	shalt  }
0x53: {  	_ =	shalt  }
0x54: {  	_ =	shalt  }
0x55: {  	_ =	shalt  }
0x56: {  	_ =	shalt  }
0x57: {  	_ =	shalt  }
0x58: {  	_ =	shalt  }
0x59: {  	_ =	shalt  }
0x5a: {  	_ =	shalt  }
0x5b: {  	_ =	shalt  }
0x5c: {  	_ =	shalt  }
0x5d: {  	_ =	shalt  }
0x5e: {  	_ =	shalt  }
0x5f: {  	_ =	shalt  }
0x60: {  	_ =	shalt  }
0x61: {  	_ =	shalt  }
0x62: {  	_ =	shalt  }
0x63: {  	_ =	shalt  }
0x64: {  	_ =	shalt  }
0x65: {  	_ =	shalt  }
0x66: {  	_ =	shalt  }
0x67: {  	_ =	shalt  }
0x68: {  	_ =	shalt  }
0x69: {  	_ =	shalt  }
0x6a: {  	_ =	shalt  }
0x6b: {  	_ =	shalt  }
0x6c: {  	_ =	shalt  }
0x6d: {  	_ =	shalt  }
0x6e: {  	_ =	shalt  }
0x6f: {  	_ =	shalt  }
0x70: {  	_ =	shalt  }
0x71: {  	_ =	shalt  }
0x72: {  	_ =	shalt  }
0x73: {  	_ =	shalt  }
0x74: {  	_ =	shalt  }
0x75: {  	_ =	shalt  }
0x76: {  	_ =	shalt  }
0x77: {  	_ =	shalt  }
0x78: {  	_ =	shalt  }
0x79: {  	_ =	shalt  }
0x7a: {  	_ =	shalt  }
0x7b: {  	_ =	shalt  }
0x7c: {  	_ =	shalt  }
0x7d: {  	_ =	shalt  }
0x7e: {  	_ =	shalt  }
0x7f: {  	_ =	shalt  }
0x80: {  	_ =	shalt  }
0x81: {  	_ =	shalt  }
0x82: {  	_ =	shalt  }
0x83: {  	_ =	shalt  }
0x84: {  	_ =	shalt  }
0x85: {  	_ =	shalt  }
0x86: {  	_ =	shalt  }
0x87: {  	_ =	shalt  }
.Lfunc_end0:
.L_simem_size_0:
called_computation_lowered:
.L_overlay_start_0:
0x88: {  	s2 =	sld [smem:$0x3FD9]  }
0x89: {  	s3 =	sld [smem:$0x3FFE];
	_ =	sdelay $0x1  }
0x8a: {  	s1 =	srdreg.scid  }
0x8b: {  	s0 =	sand.u32 $0x1, s1  }
0x8c: {  	s14 =	sshll.u32 s0, $0xA;
	s2 =	sadd.s32 s3, s2  }
0x8d: {  	s2 =	sadd.s32 s2, s14  }
0x8e: {  	[smem:$0x3FC2] =	sst s2  }
0x8f: {  	_ = 	snop  }
0x90: {  	s2 =	sld [smem:$0x3FC9]  }
0x91: {  	s15 =	sld [smem:$0x3FD0]  }
0x92: {  	s4 =	sld [smem:$0x3FC8]  }
0x93: {  	s5 =	sld [smem:$0x3FC5]  }
0x94: {  	s7 =	simm.s32 $0xA;
	s8 =	simm.s32 $0x10;
	s6 =	sld [smem:$0x3FC4]  }
0x95: {  	[smem:s8], [sflag:s7] =	dma.local [hbm:s15], $0x1  }
0x96: {  	_ =	swait.eq [sflag:s7], $0x1  }
0x97: {  	s16 =	sld [smem:$0x10];
	[sflag:s7] =	ssyncset.done $0x0  }
0x98: {  	s17 =	sld [smem:$0x11];
	[sflag:s7] =	ssyncadd.s32 $0xFFFFFFFF  }
0x99: {  	s18 =	sld [smem:$0x12];
	(tm) =	ssettm $0x1  }
0x9a: {  	s9 =	sld [smem:$0x3FFB];
	_ =	sdelay $0x3  }
0x9b: {  	_ =	strace s9  }
0x9c: {  	s9 =	sld [smem:$0x3FFC];
	_ =	sdelay $0x3  }
0x9d: {  	_ =	strace s9  }
0x9e: {  	s9 =	sld [smem:$0x3FFD];
	_ =	sdelay $0x3  }
0x9f: {  	_ =	strace s9  }
0xa0: {  	_ =	strace $0x8FFFFFFF  }
0xa1: {  	s19 =	sld [smem:$0x3FDB];
	_ =	sdelay $0x1  }
0xa2: {  	s10 =	simm.s32 $_scs_section_size  }
0xa3: {  	s11 =	simm.s32 $_size__tile_overlayer_lowered;
	s12 =	simm.s32 $_tile_overlayer_lowered  }
0xa4: {  	s22 =	simm.s32 $0x1BFF;
	s21 =	sshll.u32 s12, $0x1;
	s9 =	sadd.s32 s10, s19  }
0xa5: {  	s13 =	simm.s32 $0x0;
	s20 =	sshll.u32 s11, $0x1;
	s11 =	sadd.s32 s21, s9  }
0xa6: {  	[timem:s13], [sflag:s22] =	dma.local [hbm:s11], s20  }
0xa7: {  	_ =	swait.ge [sflag:s22], s20  }
0xa8: {  	s10 =	ssub.s32 $0x0, s20;
	[sflag:s22] =	ssyncset.done $0x0  }
0xa9: {  	[sflag:s22] =	ssyncadd.s32 s10;
	_ =	sdelay $0x1  }
0xaa: {  	s23 =	simm.s32 $0x1B8B  }
0xab: {  	_ =	swait.ge [sflag:s23], $0x1  }
0xac: {  	[sflag:s23] =	ssyncset.done $0x0  }
0xad: {  	s25 =	simm.s32 $0x1B8E;
	s24 =	sld [smem:$0x3FFE];
	[sflag:s23] =	ssyncadd.s32 $0xFFFFFFFF  }
0xae: {  	s26 =	simm.s32 $execute0_lowered;
	[smem:$0x3FD2] =	sst s25  }
0xaf: {  	s11 =	sshll.u32 s26, $0x1;
	_ =	strace $0x80000046;
	[dreg:$0x1] =	wrdreg $0xFFFFFFFF  }
0xb0: {  	s28 =	simm.s32 $_size_execute0_lowered;
	s9 =	sadd.s32 s9, s11;
	[dreg:$0x0] =	wrdreg $0x0  }
0xb1: {  	s11 =	sshll.u32 s28, $0x1;
	[dreg:$0x2] =	wrdreg s9  }
0xb2: {  	[dreg:$0x3] =	wrdreg s11  }
0xb3: {  	[dreg:$0x4] =	wrdreg $0xC0  }
0xb4: {  	_ =	task [dreg:s13], $0x5FFFF  }
0xb5: {  	[dreg:$0x1] =	wrdreg $0xFFFFFFFF  }
0xb6: {  	[dreg:$0x0] =	wrdreg $0x60  }
0xb7: {  	[dreg:$0x2] =	wrdreg s2  }
0xb8: {  	[dreg:$0x3] =	wrdreg s4  }
0xb9: {  	[dreg:$0x4] =	wrdreg s24  }
0xba: {  	[dreg:$0x5] =	wrdreg s5  }
0xbb: {  	[dreg:$0x6] =	wrdreg s6  }
0xbc: {  	[dreg:$0x7] =	wrdreg s16  }
0xbd: {  	[dreg:$0x8] =	wrdreg s17  }
0xbe: {  	[dreg:$0x9] =	wrdreg s18  }
0xbf: {  	[dreg:$0xa] =	wrdreg $0x9  }
0xc0: {  	_ =	task.clear_ibuf [dreg:s13], $0xBFFFF;
	_ =	strace $0x90000046  }
0xc1: {  	s29 =	simm.s32 $0x9;
	_ =	strace $0x80000048  }
0xc2: {  	_ =	swait.ge [sflag:s29], $0x1  }
0xc3: {  	[sflag:s29] =	ssyncadd.s32 $0xFFFFFFFF  }
0xc4: {  	_ =	strace $0x90000048  }
0xc5: {  	_ =	sfence  }
0xc6: {  	s30 =	sld [smem:$0x0];
	_ =	sdelay $0x2  }
0xc7: {  	s31 =	sshll.u32 s1, $0xD;
	s1 =	sshrl.u32 s1, $0x2  }
0xc8: {  	s3 =	sand.u32 $0x4000, s31;
	s1 =	sadd.s32 s1, s30  }
0xc9: {  	s0 =	sor.u32 s3, s0;
	s1 =	sshll.u32 s1, $0x11  }
0xca: {  	s0 =	sor.u32 s1, s0  }
0xcb: {  	s0 =	sadd.s32 $0x8F2B, s0  }
0xcc: {  	[sflag:s0] =	ssyncadd.remote.s32 $0x1  }
0xcd: {  	_ =	sfence.sel $0xFFFF  }
0xce: {  	[dreg:$0x0] =	wrdreg $0xFFFFFFFF;
	(pc) =	sbr.abs _section_cstart, $3  }
0xcf: {  	[dreg:$0x1] =	wrdreg $0xFFFFFFFF  }
0xd0: {  	_ =	task.clear_ibuf [dreg:s13], $0x2FFFF;
	_ =	strace $0x9FFFFFFF  }
0xd1: {  	(tm) =	ssettm $0x7FFFFFFF  }
tec
execute0_lowered:
.L_overlay_start_1:
0x0: {  	(tag) =	ssettag $0x1  }
0x1: {  	s0 =	rddreg [dreg:$0x0]  }
0x2: {  	s3 =	rddreg [dreg:$0x1]  }
0x3: {  	s6 =	rddreg [dreg:$0x2]  }
0x4: {  	s1 =	rddreg [dreg:$0x3]  }
0x5: {  	s2 =	rddreg [dreg:$0x4]  }
0x6: {  	s9 =	rddreg [dreg:$0x5]  }
0x7: {  	s10 =	rddreg [dreg:$0x6]  }
0x8: {  	s11 =	rddreg [dreg:$0x7]  }
0x9: {  	s4 =	simm.s32 $0x0;
	s5 =	srdreg.scid;
	s8 =	stileid.u32  }
0xa: {  	s15 =	simm.s32 $0x80;
	s16 =	simm.s32 $0x400;
	s17 =	simm.s32 $0x2400  }
0xb: {  	s18 =	simm.s32 $0x4400;
	s21 =	simm.s32 $0x280;
	s25 =	simm.s32 $0x100  }
0xc: {  	s28 =	simm.s32 $0x300;
	s19 =	simm.s32 $0x380;
	s20 =	simm.s32 $0x3C00  }
0xd: {  	s22 =	simm.s32 $0x4580;
	s23 =	simm.s32 $0x4780;
	s24 =	simm.s32 $0x1  }
0xe: {  	s26 =	simm.s32 $0x0;
	[smem:$0x7FF] =	sst s4;
	s5 =	sand.u32 $0x1, s5  }
0xf: {  	s8 =	sshll.u32 s8, $0xA;
	_ =	strace $0x80000047;
	s12 =	sshll.u32 s5, $0x9  }
0x10: {  	s7 =	ssub.s32 $0x2, s5;
	s5 =	sadd.s32 $0xF42C00, s6;
	s12 =	sor.u32 s12, s8  }
0x11: {  	s6 =	sadd.s32 $0x112B200, s6;
	s13 =	sshrl.u32 s7, $0x1;
	s14 =	sshrl.u32 s12, $0x3  }
0x12: {  	s13 =	ssub.s32 s7, s13;
	s31 =	sshll.u32 s12, $0x1;
	s7 =	sadd.s32 s0, s14  }
0x13: {  	s8 =	sadd.s32 s3, s14;
	s9 =	sadd.s32 s9, s31;
	s10 =	sadd.s32 s10, s31  }
0x14: {  	s11 =	sadd.s32 s11, s14;
	s12 =	smax.u32 s13, $0x1;
	s13 =	simm.s32 $0x2  }
0x15: {  	s14 =	simm.s32 $0x200;
	s0 =	simm.s32 $0x180;
	s3 =	simm.s32 $0x1C00  }
.LBB2_1:
0x16: {  	[tilespmem:s4], [sflag:$0x2] =	stream.linear.gather [hbm4b:s7+s4], $0x200, $0x38;
	[tilespmem:$0x4800] =	vst v63  }
0x17: {  	_ =	swait.ge [sflag:s13], $0x200  }
0x18: {  	[sflag:s13] =	ssyncset.done $0x0  }
0x19: {  	[sflag:s13] =	ssyncadd.s32 $0xFFFFFE00  }
0x1a: {  	[tilespmem:s14], [sflag:$0x2] =	stream.linear.gather [hbm4b:s8+s4], $0x200, $0x38;
	[tilespmem:$0x4800] =	vst v63  }
0x1b: {  	_ =	swait.ge [sflag:s13], $0x200  }
0x1c: {  	[sflag:s13] =	ssyncset.done $0x0  }
0x1d: {  	[sflag:s13] =	ssyncadd.s32 $0xFFFFFE00  }
0x1e: {  	[tilespmem:s16], [sflag:$0x1] =	stream.indirect.gather [hbm4b:s5+s15], $0x10, s4, s15, $0xb8;
	[tilespmem:$0x4800] =	vst v63  }
0x1f: {  	_ = 	snop  }
0x20: {  	[tilespmem:s17], [sflag:$0x1] =	stream.indirect.gather [hbm4b:s6+s15], $0x10, s14, s15, $0xb8;
	[tilespmem:$0x4800] =	vst v63  }
0x21: {  	_ = 	snop  }
0x22: {  	[tilespmem:s18], [sflag:$0x1] =	stream.indirect.gather [hbm4b:s1+s15], $0x1, s4, s15, $0xb8;
	[tilespmem:$0x4800] =	vst v63  }
0x23: {  	s29 =	simm.s32 $0x4600  }
0x24: {  	[tilespmem:s29], [sflag:$0x1] =	stream.indirect.gather [hbm4b:s2+s15], $0x1, s14, s15, $0xb8;
	[tilespmem:$0x4800] =	vst v63  }
0x25: {  	s29 =	simm.s32 $0xC00  }
0x26: {  	[tilespmem:s29], [sflag:$0x1] =	stream.indirect.gather [hbm4b:s5+s15], $0x10, s15, s15, $0xb8;
	[tilespmem:$0x4800] =	vst v63  }
0x27: {  	s29 =	simm.s32 $0x2C00  }
0x28: {  	[tilespmem:s29], [sflag:$0x1] =	stream.indirect.gather [hbm4b:s6+s15], $0x10, s21, s15, $0xb8;
	[tilespmem:$0x4800] =	vst v63  }
0x29: {  	s29 =	simm.s32 $0x4480  }
0x2a: {  	[tilespmem:s29], [sflag:$0x1] =	stream.indirect.gather [hbm4b:s1+s15], $0x1, s15, s15, $0xb8;
	[tilespmem:$0x4800] =	vst v63  }
0x2b: {  	s29 =	simm.s32 $0x4680  }
0x2c: {  	[tilespmem:s29], [sflag:$0x1] =	stream.indirect.gather [hbm4b:s2+s15], $0x1, s21, s15, $0xb8;
	[tilespmem:$0x4800] =	vst v63  }
0x2d: {  	s29 =	simm.s32 $0x1400  }
0x2e: {  	[tilespmem:s29], [sflag:$0x1] =	stream.indirect.gather [hbm4b:s5+s15], $0x10, s25, s15, $0xb8;
	[tilespmem:$0x4800] =	vst v63  }
0x2f: {  	s29 =	simm.s32 $0x3400  }
0x30: {  	[tilespmem:s29], [sflag:$0x1] =	stream.indirect.gather [hbm4b:s6+s15], $0x10, s28, s15, $0xb8;
	[tilespmem:$0x4800] =	vst v63  }
0x31: {  	s29 =	simm.s32 $0x4500  }
0x32: {  	[tilespmem:s29], [sflag:$0x1] =	stream.indirect.gather [hbm4b:s1+s15], $0x1, s25, s15, $0xb8;
	[tilespmem:$0x4800] =	vst v63  }
0x33: {  	s29 =	simm.s32 $0x4700  }
0x34: {  	[tilespmem:s29], [sflag:$0x1] =	stream.indirect.gather [hbm4b:s2+s15], $0x1, s28, s15, $0xb8;
	[tilespmem:$0x4800] =	vst v63  }
0x35: {  	_ = 	snop  }
0x36: {  	[tilespmem:s3], [sflag:$0x1] =	stream.indirect.gather [hbm4b:s5+s15], $0x10, s0, s15, $0xb8;
	[tilespmem:$0x4800] =	vst v63  }
0x37: {  	_ = 	snop  }
0x38: {  	[tilespmem:s20], [sflag:$0x1] =	stream.indirect.gather [hbm4b:s6+s15], $0x10, s19, s15, $0xb8;
	[tilespmem:$0x4800] =	vst v63  }
0x39: {  	_ = 	snop  }
0x3a: {  	[tilespmem:s22], [sflag:$0x1] =	stream.indirect.gather [hbm4b:s1+s15], $0x1, s0, s15, $0xb8;
	[tilespmem:$0x4800] =	vst v63  }
0x3b: {  	_ = 	snop  }
0x3c: {  	[tilespmem:s23], [sflag:$0x1] =	stream.indirect.gather [hbm4b:s2+s15], $0x1, s19, s15, $0xb8;
	[tilespmem:$0x4800] =	vst v63  }
0x3d: {  	_ =	swait.ge [sflag:s24], $0x800  }
0x3e: {  	[sflag:s24] =	ssyncset.done $0x0  }
0x3f: {  	[sflag:s24] =	ssyncadd.s32 $0xFFFFF800  }
0x40: {  	_ =	swait.ge [sflag:s24], $0x800  }
0x41: {  	[sflag:s24] =	ssyncset.done $0x0  }
0x42: {  	[sflag:s24] =	ssyncadd.s32 $0xFFFFF800  }
0x43: {  	_ =	swait.ge [sflag:s24], $0x80  }
0x44: {  	[sflag:s24] =	ssyncset.done $0x0  }
0x45: {  	[sflag:s24] =	ssyncadd.s32 $0xFFFFFF80  }
0x46: {  	_ =	swait.ge [sflag:s24], $0x80  }
0x47: {  	[sflag:s24] =	ssyncset.done $0x0  }
0x48: {  	[sflag:s24] =	ssyncadd.s32 $0xFFFFFF80  }
0x49: {  	_ =	swait.ge [sflag:s24], $0x800  }
0x4a: {  	[sflag:s24] =	ssyncset.done $0x0  }
0x4b: {  	[sflag:s24] =	ssyncadd.s32 $0xFFFFF800  }
0x4c: {  	_ =	swait.ge [sflag:s24], $0x800  }
0x4d: {  	[sflag:s24] =	ssyncset.done $0x0  }
0x4e: {  	[sflag:s24] =	ssyncadd.s32 $0xFFFFF800  }
0x4f: {  	_ =	swait.ge [sflag:s24], $0x80  }
0x50: {  	[sflag:s24] =	ssyncset.done $0x0  }
0x51: {  	[sflag:s24] =	ssyncadd.s32 $0xFFFFFF80  }
0x52: {  	_ =	swait.ge [sflag:s24], $0x80  }
0x53: {  	[sflag:s24] =	ssyncset.done $0x0  }
0x54: {  	[sflag:s24] =	ssyncadd.s32 $0xFFFFFF80  }
0x55: {  	_ =	swait.ge [sflag:s24], $0x800  }
0x56: {  	[sflag:s24] =	ssyncset.done $0x0  }
0x57: {  	[sflag:s24] =	ssyncadd.s32 $0xFFFFF800  }
0x58: {  	_ =	swait.ge [sflag:s24], $0x800  }
0x59: {  	[sflag:s24] =	ssyncset.done $0x0  }
0x5a: {  	[sflag:s24] =	ssyncadd.s32 $0xFFFFF800  }
0x5b: {  	_ =	swait.ge [sflag:s24], $0x80  }
0x5c: {  	[sflag:s24] =	ssyncset.done $0x0  }
0x5d: {  	[sflag:s24] =	ssyncadd.s32 $0xFFFFFF80  }
0x5e: {  	_ =	swait.ge [sflag:s24], $0x80  }
0x5f: {  	[sflag:s24] =	ssyncset.done $0x0  }
0x60: {  	[sflag:s24] =	ssyncadd.s32 $0xFFFFFF80  }
0x61: {  	_ =	swait.ge [sflag:s24], $0x800  }
0x62: {  	[sflag:s24] =	ssyncset.done $0x0  }
0x63: {  	[sflag:s24] =	ssyncadd.s32 $0xFFFFF800  }
0x64: {  	_ =	swait.ge [sflag:s24], $0x800  }
0x65: {  	[sflag:s24] =	ssyncset.done $0x0  }
0x66: {  	[sflag:s24] =	ssyncadd.s32 $0xFFFFF800  }
0x67: {  	_ =	swait.ge [sflag:s24], $0x80  }
0x68: {  	[sflag:s24] =	ssyncset.done $0x0  }
0x69: {  	[sflag:s24] =	ssyncadd.s32 $0xFFFFFF80  }
0x6a: {  	_ =	swait.ge [sflag:s24], $0x80  }
0x6b: {  	[sflag:s24] =	ssyncset.done $0x0  }
0x6c: {  	s29 =	simm.s32 $0x0;
	[sflag:s24] =	ssyncadd.s32 $0xFFFFFF80  }
0x6d: {  	s30 =	simm.s32 $0x40;
	v0 =	vld [tilespmem:s29+$0x4600]  }
.LBB2_2:
0x6e: {  	p0 =	sne.s32 s30, $0x7C0;
	v1 =	vld [tilespmem:s29+$0x4400];
	_ =	sdelay $0x2  }
.Ltmp0:
0x6f: {  	(pc) =	sbr.rel @p0 .LBB2_2-.Ltmp0, $4  }
0x70: {  	_ = 	snop  }
0x71: {  	v1 =	vadd.f32 v0, v1  }
0x72: {  	s31 =	sshra.s32 s30, $0x2  }
0x73: {  	s30 =	sadd.s32 $0x40, s30;
	v0 =	vld [tilespmem:s31+$0x4600];
	[tilespmem:s29+$0x4400] =	vst v1;
	s29 =	smov.u32 s31  }
0x74: {  	v1 =	vld [tilespmem:s29+$0x4400];
	_ =	sdelay $0x4  }
0x75: {  	v0 =	vadd.f32 v0, v1;
	_ =	sdelay $0x1  }
0x76: {  	[tilespmem:s29+$0x4400] =	vst v0  }
0x77: {  	[hbm4b:s9+s4] =	stream.linear.scatter [tilespmem:s16], [sflag:$0x2], $0x2000, $0x38;
	[tilespmem:$0x4800] =	vst v63  }
0x78: {  	_ =	swait.ge [sflag:s13], $0x2000  }
0x79: {  	[sflag:s13] =	ssyncset.done $0x0  }
0x7a: {  	[sflag:s13] =	ssyncadd.s32 $0xFFFFE000  }
0x7b: {  	[hbm4b:s10+s4] =	stream.linear.scatter [tilespmem:s17], [sflag:$0x2], $0x2000, $0x38;
	[tilespmem:$0x4800] =	vst v63  }
0x7c: {  	s26 =	sadd.s32 $0x1, s26;
	_ =	swait.ge [sflag:s13], $0x2000  }
0x7d: {  	p0 =	sne.s32 s26, s12;
	[sflag:s13] =	ssyncset.done $0x0  }
.Ltmp1:
0x7e: {  	[sflag:s13] =	ssyncadd.s32 $0xFFFFE000;
	(pc) =	sbr.rel @p0 .LBB2_1-.Ltmp1, $4  }
0x7f: {  	[hbm4b:s11+s4] =	stream.linear.scatter [tilespmem:s18], [sflag:$0x2], $0x200, $0x38;
	[tilespmem:$0x4800] =	vst v63  }
0x80: {  	_ =	swait.ge [sflag:s13], $0x200  }
0x81: {  	[sflag:s13] =	ssyncset.done $0x0  }
0x82: {  	[sflag:s13] =	ssyncadd.s32 $0xFFFFFE00  }
0x83: {  	_ =	sfence.sel $0x180000  }
0x84: {  	[bflag:$0x0] =	sbarrier.arrive $0xFFFF  }
0x85: {  	_ =	strace $0x90000047  }
0x86: {  	s0 =	stileid.u32;
	[bflag:$0x2] =	sbarrier.arrive $0xFFFF  }
0x87: {  	p0 =	sne.s32 s0, $0x0;
	s0 =	rddreg [dreg:$0x8]  }
0x88: {  	s0 =	sadd.s32 @!p0 $0x100000, s0  }
0x89: {  	[sflag:s0] =	ssyncadd.tile.s32 @!p0 $0x1;
	_ =	shalt  }
.Lfunc_end2:
_tile_overlayer_lowered:
.L_overlay_start_2:
0x8a: {  	(tag) =	ssettag $0x2  }
0x8b: {  	s0 =	rddreg [dreg:$0x0];
	s2 =	stileid.u32  }
0x8c: {  	s1 =	rddreg [dreg:$0x1];
	p0 =	sne.s32 s2, $0x0  }
0x8d: {  	s3 =	rddreg [dreg:$0x2];
	[bflag:$0x3] =	sbarrier.arrive $0xFFFF;
	s2 =	simm.s32 @!p0 $0x1C02  }
0x8e: {  	[timem:s3], [sflag:s2] =	dma.local @!p0 [hbm:s0], s1  }
0x8f: {  	s0 =	simm.s32 @!p0 $0x2  }
0x90: {  	_ =	swait.ge @!p0 [sflag:s0], s1  }
0x91: {  	s1 =	ssub.s32 @!p0 $0x0, s1;
	[sflag:s0] =	ssyncset.done @!p0 $0x0  }
0x92: {  	[sflag:s0] =	ssyncadd.s32 @!p0 s1  }
0x93: {  	[bflag:$0x3] =	sbarrier.arrive $0xFFFF  }
0x94: {  	_ =	shalt  }

</sc_bundles>
